<compile_context>
chip_gen: v7x
topology: tpu7x:2x2x1
jax: 0.10.2.dev20260603
libtpu: 0.0.44.dev20260713+nightly
codegen_flags: <defaults>
</compile_context>

<pallas_src>
import functools

import jax
import jax.numpy as jnp
from jax import lax
from jax.experimental import pallas as pl
from jax.experimental.pallas import tpu as pltpu
from jax.experimental.pallas import tpu_sc as plsc

N = 10000
E = 160000
IN = 256
H = 8
D = 32
EF = 64
NT = 4

L = 16
NC = 2
NS = 16
NW = NC * NS

EPW_A = E // NW
CH_A = 1000
NCH_A = EPW_A // CH_A
NP = 10240
NPS = NP // NS

EPC_B = E // NS
CB = 400
NCH_B = EPC_B // CB

_SC_PARAMS = pltpu.CompilerParams(use_tc_tiling_on_sc=False,
                                  needs_layout_passes=False)


def _dense_body(nfeat_ref, wfc_ref, al_ref, ar_ref, ae_ref, eemb_ref,
                wfce_ref, feat2_ref, el_ref, er_ref, ee_ref):
    feat = jnp.dot(nfeat_ref[...], wfc_ref[...])
    feat2_ref[0] = feat[:, :128]
    feat2_ref[1] = feat[:, 128:]
    el_ref[...] = jnp.dot(feat, al_ref[...])
    er_ref[...] = jnp.dot(feat, ar_ref[...])
    ef = jnp.dot(eemb_ref[...], wfce_ref[...])
    ee_ref[...] = jnp.dot(ef, ae_ref[...])


def _dense_stage(nfeat, W_fc, W_fc_e, attn_l, attn_r, attn_e, edge_emb):
    al = attn_l.reshape(H, D)
    ar = attn_r.reshape(H, D)
    eye = jnp.eye(H, dtype=jnp.float32)
    pad = jnp.zeros((H * D, L - H), dtype=jnp.float32)
    Al = jnp.concatenate(
        [(al[:, :, None] * eye[:, None, :]).reshape(H * D, H), pad], axis=1)
    Ar = jnp.concatenate(
        [(ar[:, :, None] * eye[:, None, :]).reshape(H * D, H), pad], axis=1)
    ae = attn_e.reshape(H, EF)
    Ae = jnp.concatenate(
        [(ae[:, :, None] * eye[:, None, :]).reshape(H * EF, H),
         jnp.zeros((H * EF, L - H), dtype=jnp.float32)], axis=1)

    feat2, el16, er16, ee16 = pl.pallas_call(
        _dense_body,
        out_shape=(
            jax.ShapeDtypeStruct((2, N, 128), jnp.float32),
            jax.ShapeDtypeStruct((N, L), jnp.float32),
            jax.ShapeDtypeStruct((N, L), jnp.float32),
            jax.ShapeDtypeStruct((8, L), jnp.float32),
        ),
    )(nfeat, W_fc, Al, Ar, Ae,
      jnp.concatenate([edge_emb,
                       jnp.zeros((8 - NT, EF), dtype=jnp.float32)], axis=0),
      W_fc_e)
    return feat2, el16, er16, ee16


def _pass_a(el16, er16, ee16, src, dst, etype, zeros_n16):
    mesh = plsc.VectorSubcoreMesh(core_axis_name="c", subcore_axis_name="s")

    @functools.partial(
        pl.kernel,
        out_type=(
            jax.ShapeDtypeStruct((E, L), jnp.float32),
            jax.ShapeDtypeStruct((NC * NP, L), jnp.float32),
        ),
        mesh=mesh,
        compiler_params=_SC_PARAMS,
        scratch_types=[
            pltpu.VMEM((CH_A,), jnp.int32),
            pltpu.VMEM((CH_A,), jnp.int32),
            pltpu.VMEM((CH_A,), jnp.int32),
            pltpu.VMEM((CH_A, L), jnp.float32),
            pltpu.VMEM((CH_A, L), jnp.float32),
            pltpu.VMEM((CH_A, L), jnp.float32),
            pltpu.VMEM((CH_A, L), jnp.float32),
            pltpu.VMEM_SHARED((NP, L), jnp.float32),
            pltpu.VMEM_SHARED((NP, L), jnp.float32),
            pltpu.VMEM_SHARED((NP, L), jnp.float32),
            pltpu.VMEM_SHARED((8, L), jnp.float32),
            pltpu.SemaphoreType.DMA,
            pltpu.SemaphoreType.DMA,
        ],
    )
    def k(el_h, er_h, ee_h, src_h, dst_h, et_h, z_h,
          ex_h, den_h, src_v, dst_v, et_v, g1, g2, g3, exc,
          den_sh, el_sh, er_sh, ee_sh, sem, sem2):
        c = lax.axis_index("c")
        s = lax.axis_index("s")
        w = c * NS + s
        pltpu.sync_copy(z_h.at[pl.ds(s * NPS, NPS)],
                        den_sh.at[pl.ds(s * NPS, NPS)])
        pltpu.sync_copy(el_h.at[pl.ds(s * NPS, NPS)],
                        el_sh.at[pl.ds(s * NPS, NPS)])
        pltpu.sync_copy(er_h.at[pl.ds(s * NPS, NPS)],
                        er_sh.at[pl.ds(s * NPS, NPS)])
        pltpu.sync_copy(ee_h, ee_sh)
        plsc.subcore_barrier()

        @pl.loop(0, NCH_A)
        def _(ch):
            base = w * EPW_A + ch * CH_A
            i1 = pltpu.async_copy(src_h.at[pl.ds(base, CH_A)], src_v, sem2)
            i2 = pltpu.async_copy(dst_h.at[pl.ds(base, CH_A)], dst_v, sem2)
            i3 = pltpu.async_copy(et_h.at[pl.ds(base, CH_A)], et_v, sem2)
            i1.wait()
            i2.wait()
            i3.wait()
            d1 = pltpu.async_copy(el_sh.at[src_v], g1, sem)
            d2 = pltpu.async_copy(er_sh.at[dst_v], g2, sem)
            d3 = pltpu.async_copy(ee_sh.at[et_v], g3, sem)
            d1.wait()
            d2.wait()
            d3.wait()

            @pl.loop(0, CH_A)
            def _(i):
                t = g1[i, :] + g2[i, :] + g3[i, :]
                t = jnp.where(t > 0, t, 0.2 * t)
                exc[i, :] = jnp.exp(t)

            pltpu.sync_copy(exc, ex_h.at[pl.ds(base, CH_A)])
            pltpu.sync_copy(exc, den_sh.at[dst_v], add=True)

        plsc.subcore_barrier()
        pltpu.sync_copy(den_sh.at[pl.ds(s * NPS, NPS)],
                        den_h.at[pl.ds(c * NP + s * NPS, NPS)])

    return k(el16, er16, ee16, src, dst, etype, zeros_n16)


def _pass_a2(ex16, rden, dst):
    mesh = plsc.VectorSubcoreMesh(core_axis_name="c", subcore_axis_name="s")

    @functools.partial(
        pl.kernel,
        out_type=jax.ShapeDtypeStruct((E // 2, L), jnp.float32),
        mesh=mesh,
        compiler_params=_SC_PARAMS,
        scratch_types=[
            pltpu.VMEM((CH_A,), jnp.int32),
            pltpu.VMEM((CH_A, L), jnp.float32),
            pltpu.VMEM((CH_A, L), jnp.float32),
            pltpu.VMEM((CH_A // 2, L), jnp.float32),
            pltpu.SemaphoreType.DMA,
            pltpu.SemaphoreType.DMA,
        ],
    )
    def k(ex_h, rd_h, dst_h, a_h, dst_v, g0, exc, av8, sem, sem2):
        c = lax.axis_index("c")
        s = lax.axis_index("s")
        w = c * NS + s
        lane = lax.iota(jnp.int32, L)
        mlo = lane < 8
        col_e = lax.bitwise_and(lane, 7)
        col_o = col_e + 8

        @pl.loop(0, NCH_A)
        def _(ch):
            base = w * EPW_A + ch * CH_A
            pltpu.sync_copy(dst_h.at[pl.ds(base, CH_A)], dst_v)
            d1 = pltpu.async_copy(rd_h.at[dst_v], g0, sem)
            d2 = pltpu.async_copy(ex_h.at[pl.ds(base, CH_A)], exc, sem2)
            d1.wait()
            d2.wait()

            @pl.loop(0, CH_A, step=2)
            def _(i):
                ivec = jnp.full((L,), i // 2, jnp.int32)
                v0 = exc[i, :] * g0[i, :]
                v1 = exc[i + 1, :] * g0[i + 1, :]
                plsc.store_scatter(av8, [ivec, col_e], v0, mask=mlo)
                plsc.store_scatter(av8, [ivec, col_o], v1, mask=mlo)

            pltpu.sync_copy(av8, a_h.at[pl.ds(base // 2, CH_A // 2)])

    return k(ex16, rden, dst)


def _pass_b(a8, src, dst, feat4r, zeros_np64):
    mesh = plsc.VectorSubcoreMesh(core_axis_name="c", subcore_axis_name="s")

    @functools.partial(
        pl.kernel,
        out_type=jax.ShapeDtypeStruct((4 * NP, 64), jnp.float32),
        mesh=mesh,
        compiler_params=_SC_PARAMS,
        scratch_types=[
            pltpu.VMEM((CB,), jnp.int32),
            pltpu.VMEM((CB,), jnp.int32),
            pltpu.VMEM((CB,), jnp.int32),
            pltpu.VMEM((CB,), jnp.int32),
            pltpu.VMEM((CB // 2, L), jnp.float32),
            pltpu.VMEM((CB // 2, L), jnp.float32),
            pltpu.VMEM((CB, 64), jnp.float32),
            pltpu.VMEM((CB, 64), jnp.float32),
            pltpu.VMEM_SHARED((NP, 64), jnp.float32),
            pltpu.SemaphoreType.DMA,
            pltpu.SemaphoreType.DMA,
            pltpu.SemaphoreType.DMA,
            pltpu.SemaphoreType.DMA,
            pltpu.SemaphoreType.DMA,
            pltpu.SemaphoreType.DMA,
        ],
    )
    def k(a_h, src_h, dst_h, feat_h, z_h, rst_h,
          dst_v0, dst_v1, srcc_v0, srcc_v1,
          ac0, ac1, fg0, fg1, rst_sh,
          sem_g0, sem_g1, sem_a0, sem_a1, sem_s0, sem_s1):
        c = lax.axis_index("c")
        s = lax.axis_index("s")
        dst_v = (dst_v0, dst_v1)
        srcc_v = (srcc_v0, srcc_v1)
        ac = (ac0, ac1)
        fg = (fg0, fg1)
        sem_g = (sem_g0, sem_g1)
        sem_a = (sem_a0, sem_a1)
        sem_s = (sem_s0, sem_s1)

        @pl.loop(0, 2)
        def _(q):
            qi = 2 * c + q
            pltpu.sync_copy(z_h.at[pl.ds(s * NPS, NPS)],
                            rst_sh.at[pl.ds(s * NPS, NPS)])
            plsc.subcore_barrier()

            coff = qi * N
            h_e = [jnp.full((L,), qi * 2 + h, jnp.int32) for h in range(2)]
            h_o = [jnp.full((L,), 8 + qi * 2 + h, jnp.int32) for h in range(2)]

            def wait_scatter(p):
                pltpu.make_async_copy(fg[p], rst_sh.at[dst_v[p]],
                                      sem_s[p]).wait()

            def prefetch(ch, p, guarded):
                if guarded:
                    @pl.when(ch >= 2)
                    def _():
                        wait_scatter(p)
                base = s * EPC_B + ch * CB
                pltpu.sync_copy(src_h.at[pl.ds(base, CB)], srcc_v[p])
                pltpu.sync_copy(dst_h.at[pl.ds(base, CB)], dst_v[p])

                @pl.loop(0, CB // L)
                def _(j):
                    sl = pl.ds(j * L, L)
                    srcc_v[p][sl] = srcc_v[p][sl] + coff

                pltpu.async_copy(feat_h.at[srcc_v[p]], fg[p], sem_g[p])
                pltpu.async_copy(a_h.at[pl.ds(base // 2, CB // 2)], ac[p],
                                 sem_a[p])

            def process(p):
                pltpu.make_async_copy(feat_h.at[srcc_v[p]], fg[p],
                                      sem_g[p]).wait()
                pltpu.make_async_copy(a_h.at[pl.ds(0, CB // 2)], ac[p],
                                      sem_a[p]).wait()

                @pl.loop(0, CB, step=2)
                def _(i):
                    ivec = jnp.full((L,), i // 2, jnp.int32)
                    s0 = plsc.load_gather(ac[p], [ivec, h_e[0]])
                    s1 = plsc.load_gather(ac[p], [ivec, h_e[1]])
                    t0 = plsc.load_gather(ac[p], [ivec, h_o[0]])
                    t1 = plsc.load_gather(ac[p], [ivec, h_o[1]])
                    fg[p][i, pl.ds(0, L)] = fg[p][i, pl.ds(0, L)] * s0
                    fg[p][i, pl.ds(L, L)] = fg[p][i, pl.ds(L, L)] * s0
                    fg[p][i, pl.ds(2 * L, L)] = fg[p][i, pl.ds(2 * L, L)] * s1
                    fg[p][i, pl.ds(3 * L, L)] = fg[p][i, pl.ds(3 * L, L)] * s1
                    fg[p][i + 1, pl.ds(0, L)] = fg[p][i + 1, pl.ds(0, L)] * t0
                    fg[p][i + 1, pl.ds(L, L)] = fg[p][i + 1, pl.ds(L, L)] * t0
                    fg[p][i + 1, pl.ds(2 * L, L)] = (
                        fg[p][i + 1, pl.ds(2 * L, L)] * t1)
                    fg[p][i + 1, pl.ds(3 * L, L)] = (
                        fg[p][i + 1, pl.ds(3 * L, L)] * t1)

                pltpu.async_copy(fg[p], rst_sh.at[dst_v[p]], sem_s[p],
                                 add=True)

            prefetch(0, 0, guarded=False)

            @pl.loop(0, NCH_B - 1, step=2)
            def _(ch):
                prefetch(ch + 1, 1, guarded=True)
                process(0)
                prefetch(ch + 2, 0, guarded=True)
                process(1)

            process(0)
            wait_scatter(1)
            wait_scatter(0)

            plsc.subcore_barrier()
            pltpu.sync_copy(rst_sh.at[pl.ds(s * NPS, NPS)],
                            rst_h.at[pl.ds(qi * NP + s * NPS, NPS)])
            plsc.subcore_barrier()

    return k(a8, src, dst, feat4r, zeros_np64)


def kernel(nfeat, edge_index, edge_type, W_fc, W_fc_e, attn_l, attn_r,
           attn_e, edge_emb):
    feat2, el16, er16, ee16 = _dense_stage(
        nfeat, W_fc, W_fc_e, attn_l, attn_r, attn_e, edge_emb)
    src = edge_index[0]
    dst = edge_index[1]
    zeros_n16 = jnp.zeros((NP, L), dtype=jnp.float32)
    padrows = jnp.zeros((NP - N, L), dtype=jnp.float32)
    el16 = jnp.concatenate([el16, padrows], axis=0)
    er16 = jnp.concatenate([er16, padrows], axis=0)
    ex16, den2 = _pass_a(el16, er16, ee16, src, dst, edge_type, zeros_n16)
    rden = 1.0 / (den2[:NP] + den2[NP:])
    a8p = _pass_a2(ex16, rden, dst)
    feat4r = feat2.reshape(2, N, 2, 64).transpose(0, 2, 1, 3)
    feat4r = feat4r.reshape(4 * N, 64)
    zeros_np64 = jnp.zeros((NP, 64), dtype=jnp.float32)
    rst4 = _pass_b(a8p, src, dst, feat4r, zeros_np64)
    a = a8p.reshape(E, H)
    rst = jnp.concatenate([rst4[q * NP:q * NP + N] for q in range(4)], axis=1)
    rst = rst.reshape(N, H, D)
    return (rst, a)

# --- scband reference (transcript-rebuilt; emitter-appended) ---
"""Pipeline reference for scband-simple-hetero-gatconv-39745627357804 (READ-ONLY COPY).

The authoritative reference and input builder live on the scoring server;
editing this copy changes nothing except your own understanding.
"""

import jax, jax.numpy as jnp
import numpy as np

N = 10000
E = 160000
IN = 256
H = 8
D = 32
EF = 64
NT = 4


def setup_inputs(seed: int = 0) -> dict:
    key = jax.random.key(seed)
    ks = jax.random.split(key, 9)
    nfeat = jax.random.normal(ks[0], (N, IN), dtype=jnp.float32)
    edge_index = jax.random.randint(ks[1], (2, E), 0, N, dtype=jnp.int32)
    edge_type = jax.random.randint(ks[2], (E,), 0, NT, dtype=jnp.int32)
    W_fc = jax.random.normal(ks[3], (IN, H * D), dtype=jnp.float32) * 0.05
    W_fc_e = jax.random.normal(ks[4], (EF, EF * H), dtype=jnp.float32) * 0.05
    attn_l = jax.random.normal(ks[5], (1, H, D), dtype=jnp.float32) * 0.1
    attn_r = jax.random.normal(ks[6], (1, H, D), dtype=jnp.float32) * 0.1
    attn_e = jax.random.normal(ks[7], (1, H, EF), dtype=jnp.float32) * 0.1
    edge_emb = jax.random.normal(ks[8], (NT, EF), dtype=jnp.float32)
    return {
        'nfeat': nfeat, 'edge_index': edge_index, 'edge_type': edge_type,
        'W_fc': W_fc, 'W_fc_e': W_fc_e,
        'attn_l': attn_l, 'attn_r': attn_r, 'attn_e': attn_e,
        'edge_emb': edge_emb,
    }


def reference(nfeat, edge_index, edge_type, W_fc, W_fc_e, attn_l, attn_r, attn_e, edge_emb):
    # node feature projection: fc(h).view(-1, H, D)
    feat = (nfeat @ W_fc).reshape(-1, H, D)  # [N, H, D]
    # attention pre-scores
    el = jnp.sum(feat * attn_l, axis=-1)  # [N, H]
    er = jnp.sum(feat * attn_r, axis=-1)  # [N, H]
    # per-etype edge embedding -> fc_e -> attn_e score
    e_feat = (edge_emb @ W_fc_e).reshape(NT, H, EF)  # [NT, H, EF]
    ee = jnp.sum(e_feat * attn_e, axis=-1)  # [NT, H]
    src = edge_index[0]
    dst = edge_index[1]
    # u_add_v + per-etype edge term, then LeakyReLU(0.2)
    logits = el[src] + er[dst] + ee[edge_type]  # [E, H]
    logits = jnp.where(logits > 0, logits, 0.2 * logits)
    # edge softmax over incoming edges of each destination node
    mx = jax.ops.segment_max(logits, dst, num_segments=N)  # [N, H]
    mx = jnp.where(jnp.isfinite(mx), mx, 0.0)
    ex = jnp.exp(logits - mx[dst])
    den = jax.ops.segment_sum(ex, dst, num_segments=N)  # [N, H]
    a = ex / den[dst]  # [E, H]
    # message passing: u_mul_e('ft','a') then sum over incoming edges
    msg = feat[src] * a[:, :, None]  # [E, H, D]
    rst = jax.ops.segment_sum(msg, dst, num_segments=N)  # [N, H, D]
    # residual=False, bias=False, activation=None -> done
    return (rst, a)

if __name__ == "__main__":
    import jax
    _d = setup_inputs()
    print(jax.jit(kernel)(*tuple(_d.values())))

</pallas_src>

<mosaic_0001>
#map = affine_map<(d0, d1) -> (0, 0)>
#map1 = affine_map<(d0, d1) -> (0)>
module attributes {stable_mosaic.version = 14 : i64} {
  func.func @k(%arg0: i32, %arg1: i32, %arg2: memref<160000x16xf32, #tpu.memory_space<hbm>>, %arg3: memref<10240x16xf32, #tpu.memory_space<hbm>>, %arg4: memref<160000xi32, #tpu.memory_space<hbm>>, %arg5: memref<80000x16xf32, #tpu.memory_space<hbm>>, %arg6: memref<1000xi32, #tpu.memory_space<vmem>>, %arg7: memref<1000x16xf32, #tpu.memory_space<vmem>>, %arg8: memref<1000x16xf32, #tpu.memory_space<vmem>>, %arg9: memref<500x16xf32, #tpu.memory_space<vmem>>, %arg10: memref<!tpu.dma_semaphore, #tpu.memory_space<semaphore_mem>>, %arg11: memref<!tpu.dma_semaphore, #tpu.memory_space<semaphore_mem>>) attributes {dimension_semantics = [#tpu.dimension_semantics<core_parallel>, #tpu.dimension_semantics<subcore_parallel>], iteration_bounds = array<i64: 2, 16>, scalar_prefetch = 0 : i64, scratch_operands = 6 : i64, tpu.core_type = #tpu.core_type<sc_vector_subcore>, window_params = [{transform_indices = #map}, {transform_indices = #map}, {transform_indices = #map1}, {transform_indices = #map}]} {
    %mul3A = arith.constant 16 : i32
    %mul3A_0 = arith.muli %arg0, %mul3A : i32
    %add3A = arith.addi %mul3A_0, %arg1 : i32
    %iota3A = tpu.iota {dimensions = array<i32: 0>} : vector<16xi32>
    %lt3A = arith.constant 8 : i32
    %lt3A_1 = vector.broadcast %lt3A : i32 to vector<16xi32>
    %lt3A_2 = arith.cmpi slt, %iota3A, %lt3A_1 : vector<16xi32>
    %and3A = arith.constant 7 : i32
    %and3A_3 = vector.broadcast %and3A : i32 to vector<16xi32>
    %and3A_4 = arith.andi %iota3A, %and3A_3 : vector<16xi32>
    %add3A_5 = arith.constant 8 : i32
    %add3A_6 = vector.broadcast %add3A_5 : i32 to vector<16xi32>
    %add3A_7 = arith.addi %and3A_4, %add3A_6 : vector<16xi32>
    %scan3A = arith.constant 0 : i32
    %scan3A_8 = arith.constant 5 : i32
    %scan3A_9 = arith.addi %scan3A, %scan3A_8 : i32
    %scan3A_10 = arith.constant 1 : i32
    scf.for %scan3A_12 = %scan3A to %scan3A_9 step %scan3A_10  : i32 {
      %mul3A_13 = arith.constant 1 : i32
      %mul3A_14 = arith.muli %scan3A_12, %mul3A_13 : i32
      %add3A_15 = arith.constant 0 : i32
      %add3A_16 = arith.addi %add3A_15, %mul3A_14 : i32
      %mul3A_17 = arith.constant 5000 : i32
      %mul3A_18 = arith.muli %add3A, %mul3A_17 : i32
      %mul3A_19 = arith.constant 1000 : i32
      %mul3A_20 = arith.muli %add3A_16, %mul3A_19 : i32
      %add3A_21 = arith.addi %mul3A_18, %mul3A_20 : i32
      "tpu.region"() ({
        %run_scoped3A = tpu.sem_alloc : memref<!tpu.dma_semaphore, #tpu.memory_space<semaphore_mem>>
        %dma_start3A_56 = tpu.memref_slice %arg4[%add3A_21] : memref<160000xi32, #tpu.memory_space<hbm>> -> memref<1000xi32, #tpu.memory_space<hbm>>
        %dma_start3A_57 = tpu.memref_slice %arg4[%add3A_21] : memref<160000xi32, #tpu.memory_space<hbm>> -> memref<1000xi32, #tpu.memory_space<hbm>>
        tpu.enqueue_dma source(%dma_start3A_57 : memref<1000xi32, #tpu.memory_space<hbm>>) target(%arg6 : memref<1000xi32, #tpu.memory_space<vmem>>) target_semaphore(%run_scoped3A : memref<!tpu.dma_semaphore, #tpu.memory_space<semaphore_mem>>)
        %dma_wait3A_58 = tpu.memref_slice %arg4[%add3A_21] : memref<160000xi32, #tpu.memory_space<hbm>> -> memref<1000xi32, #tpu.memory_space<hbm>>
        %dma_wait3A_59 = tpu.memref_slice %arg4[%add3A_21] : memref<160000xi32, #tpu.memory_space<hbm>> -> memref<1000xi32, #tpu.memory_space<hbm>>
        tpu.wait_dma2 semaphore(%run_scoped3A : memref<!tpu.dma_semaphore, #tpu.memory_space<semaphore_mem>>) src(%dma_wait3A_59 : memref<1000xi32, #tpu.memory_space<hbm>>) dst(%arg6 : memref<1000xi32, #tpu.memory_space<vmem>>)
        tpu.yield
      }) : () -> ()
      %dma_start3A = arith.constant 0 : i32
      %dma_start3A_22 = arith.constant 0 : i32
      %dma_start3A_23 = tpu.memref_slice %arg3[%dma_start3A, %dma_start3A_22] : memref<10240x16xf32, #tpu.memory_space<hbm>> -> memref<10240x16xf32, #tpu.memory_space<hbm>>
      tpu.enqueue_indirect_dma source(%dma_start3A_23 : memref<10240x16xf32, #tpu.memory_space<hbm>>) target(%arg7 : memref<1000x16xf32, #tpu.memory_space<vmem>>) offsets(%arg6 : memref<1000xi32, #tpu.memory_space<vmem>>) semaphore(%arg10 : memref<!tpu.dma_semaphore, #tpu.memory_space<semaphore_mem>>)
      %dma_start3A_24 = arith.constant 0 : i32
      %dma_start3A_25 = tpu.memref_slice %arg2[%add3A_21, %dma_start3A_24] : memref<160000x16xf32, #tpu.memory_space<hbm>> -> memref<1000x16xf32, #tpu.memory_space<hbm>>
      %dma_start3A_26 = arith.constant 0 : i32
      %dma_start3A_27 = tpu.memref_slice %arg2[%add3A_21, %dma_start3A_26] : memref<160000x16xf32, #tpu.memory_space<hbm>> -> memref<1000x16xf32, #tpu.memory_space<hbm>>
      tpu.enqueue_dma source(%dma_start3A_27 : memref<1000x16xf32, #tpu.memory_space<hbm>>) target(%arg8 : memref<1000x16xf32, #tpu.memory_space<vmem>>) target_semaphore(%arg11 : memref<!tpu.dma_semaphore, #tpu.memory_space<semaphore_mem>>)
      %dma_wait3A = arith.constant 0 : i32
      %dma_wait3A_28 = arith.constant 0 : i32
      %dma_wait3A_29 = tpu.memref_slice %arg3[%dma_wait3A, %dma_wait3A_28] : memref<10240x16xf32, #tpu.memory_space<hbm>> -> memref<10240x16xf32, #tpu.memory_space<hbm>>
      tpu.wait_indirect_dma semaphore(%arg10 : memref<!tpu.dma_semaphore, #tpu.memory_space<semaphore_mem>>) src(%dma_wait3A_29 : memref<10240x16xf32, #tpu.memory_space<hbm>>) dst(%arg7 : memref<1000x16xf32, #tpu.memory_space<vmem>>)
      %dma_wait3A_30 = arith.constant 0 : i32
      %dma_wait3A_31 = tpu.memref_slice %arg2[%add3A_21, %dma_wait3A_30] : memref<160000x16xf32, #tpu.memory_space<hbm>> -> memref<1000x16xf32, #tpu.memory_space<hbm>>
      %dma_wait3A_32 = arith.constant 0 : i32
      %dma_wait3A_33 = tpu.memref_slice %arg2[%add3A_21, %dma_wait3A_32] : memref<160000x16xf32, #tpu.memory_space<hbm>> -> memref<1000x16xf32, #tpu.memory_space<hbm>>
      tpu.wait_dma2 semaphore(%arg11 : memref<!tpu.dma_semaphore, #tpu.memory_space<semaphore_mem>>) src(%dma_wait3A_33 : memref<1000x16xf32, #tpu.memory_space<hbm>>) dst(%arg8 : memref<1000x16xf32, #tpu.memory_space<vmem>>)
      %scan3A_34 = arith.constant 0 : i32
      %scan3A_35 = arith.constant 500 : i32
      %scan3A_36 = arith.addi %scan3A_34, %scan3A_35 : i32
      %scan3A_37 = arith.constant 1 : i32
      scf.for %scan3A_56 = %scan3A_34 to %scan3A_36 step %scan3A_37  : i32 {
        %mul3A_57 = arith.constant 2 : i32
        %mul3A_58 = arith.muli %scan3A_56, %mul3A_57 : i32
        %add3A_59 = arith.constant 0 : i32
        %add3A_60 = arith.addi %add3A_59, %mul3A_58 : i32
        %jit3A_61 = arith.constant 2 : i32
        %div3A_62 = arith.divsi %add3A_60, %jit3A_61 : i32
        %sign3A_63 = arith.constant 0 : i32
        %sign3A_64 = arith.cmpi sgt, %add3A_60, %sign3A_63 : i32
        %sign3A_65 = arith.extui %sign3A_64 : i1 to i32
        %sign3A_66 = arith.constant 0 : i32
        %sign3A_67 = arith.cmpi slt, %add3A_60, %sign3A_66 : i32
        %sign3A_68 = arith.extui %sign3A_67 : i1 to i32
        %sign3A_69 = arith.subi %sign3A_65, %sign3A_68 : i32
        %sign3A_70 = arith.constant 0 : i32
        %sign3A_71 = arith.cmpi sgt, %jit3A_61, %sign3A_70 : i32
        %sign3A_72 = arith.extui %sign3A_71 : i1 to i32
        %sign3A_73 = arith.constant 0 : i32
        %sign3A_74 = arith.cmpi slt, %jit3A_61, %sign3A_73 : i32
        %sign3A_75 = arith.extui %sign3A_74 : i1 to i32
        %sign3A_76 = arith.subi %sign3A_72, %sign3A_75 : i32
        %ne3A_77 = arith.cmpi ne, %sign3A_69, %sign3A_76 : i32
        %rem3A_78 = arith.remsi %add3A_60, %jit3A_61 : i32
        %ne3A_79 = arith.constant 0 : i32
        %ne3A_80 = arith.cmpi ne, %rem3A_78, %ne3A_79 : i32
        %and3A_81 = arith.andi %ne3A_77, %ne3A_80 : i1
        %sub3A_82 = arith.constant 1 : i32
        %sub3A_83 = arith.subi %div3A_62, %sub3A_82 : i32
        %select_n3A_84 = arith.select %and3A_81, %sub3A_83, %div3A_62 : i32
        %broadcast_in_dim3A = vector.broadcast %select_n3A_84 : i32 to vector<16xi32>
        %get3A = arith.index_cast %add3A_60 : i32 to index
        %get3A_85 = arith.constant 0 : index
        %get3A_86 = tpu.vector_load %arg8[%get3A, %get3A_85] {strides = array<i32>} : memref<1000x16xf32, #tpu.memory_space<vmem>>, vector<16xf32>,
        %get3A_87 = arith.index_cast %add3A_60 : i32 to index
        %get3A_88 = arith.constant 0 : index
        %get3A_89 = tpu.vector_load %arg7[%get3A_87, %get3A_88] {strides = array<i32>} : memref<1000x16xf32, #tpu.memory_space<vmem>>, vector<16xf32>,
        %mul3A_90 = arith.mulf %get3A_86, %get3A_89 : vector<16xf32>
        %add3A_91 = arith.constant 1 : i32
        %add3A_92 = arith.addi %add3A_60, %add3A_91 : i32
        %get3A_93 = arith.index_cast %add3A_92 : i32 to index
        %get3A_94 = arith.constant 0 : index
        %get3A_95 = tpu.vector_load %arg8[%get3A_93, %get3A_94] {strides = array<i32>} : memref<1000x16xf32, #tpu.memory_space<vmem>>, vector<16xf32>,
        %add3A_96 = arith.constant 1 : i32
        %add3A_97 = arith.addi %add3A_60, %add3A_96 : i32
        %get3A_98 = arith.index_cast %add3A_97 : i32 to index
        %get3A_99 = arith.constant 0 : index
        %get3A_100 = tpu.vector_load %arg7[%get3A_98, %get3A_99] {strides = array<i32>} : memref<1000x16xf32, #tpu.memory_space<vmem>>, vector<16xf32>,
        %mul3A_101 = arith.mulf %get3A_95, %get3A_100 : vector<16xf32>
        tpu.vector_store_idx %arg9[%broadcast_in_dim3A, %and3A_4], %mul3A_90 masked %lt3A_2 : memref<500x16xf32, #tpu.memory_space<vmem>>[vector<16xi32>, vector<16xi32>], vector<16xf32>, vector<16xi1>
        tpu.vector_store_idx %arg9[%broadcast_in_dim3A, %add3A_7], %mul3A_101 masked %lt3A_2 : memref<500x16xf32, #tpu.memory_space<vmem>>[vector<16xi32>, vector<16xi32>], vector<16xf32>, vector<16xi1>
      }
      %scan3A_38 = arith.constant 500 : i32
      %jit3A = arith.constant 2 : i32
      %div3A = arith.divsi %add3A_21, %jit3A : i32
      %sign3A = arith.constant 0 : i32
      %sign3A_39 = arith.cmpi sgt, %add3A_21, %sign3A : i32
      %sign3A_40 = arith.extui %sign3A_39 : i1 to i32
      %sign3A_41 = arith.constant 0 : i32
      %sign3A_42 = arith.cmpi slt, %add3A_21, %sign3A_41 : i32
      %sign3A_43 = arith.extui %sign3A_42 : i1 to i32
      %sign3A_44 = arith.subi %sign3A_40, %sign3A_43 : i32
      %sign3A_45 = arith.constant 0 : i32
      %sign3A_46 = arith.cmpi sgt, %jit3A, %sign3A_45 : i32
      %sign3A_47 = arith.extui %sign3A_46 : i1 to i32
      %sign3A_48 = arith.constant 0 : i32
      %sign3A_49 = arith.cmpi slt, %jit3A, %sign3A_48 : i32
      %sign3A_50 = arith.extui %sign3A_49 : i1 to i32
      %sign3A_51 = arith.subi %sign3A_47, %sign3A_50 : i32
      %ne3A = arith.cmpi ne, %sign3A_44, %sign3A_51 : i32
      %rem3A = arith.remsi %add3A_21, %jit3A : i32
      %ne3A_52 = arith.constant 0 : i32
      %ne3A_53 = arith.cmpi ne, %rem3A, %ne3A_52 : i32
      %and3A_54 = arith.andi %ne3A, %ne3A_53 : i1
      %sub3A = arith.constant 1 : i32
      %sub3A_55 = arith.subi %div3A, %sub3A : i32
      %select_n3A = arith.select %and3A_54, %sub3A_55, %div3A : i32
      "tpu.region"() ({
        %run_scoped3A = tpu.sem_alloc : memref<!tpu.dma_semaphore, #tpu.memory_space<semaphore_mem>>
        %dma_start3A_56 = arith.constant 0 : i32
        %dma_start3A_57 = tpu.memref_slice %arg5[%select_n3A, %dma_start3A_56] : memref<80000x16xf32, #tpu.memory_space<hbm>> -> memref<500x16xf32, #tpu.memory_space<hbm>>
        %dma_start3A_58 = arith.constant 0 : i32
        %dma_start3A_59 = tpu.memref_slice %arg5[%select_n3A, %dma_start3A_58] : memref<80000x16xf32, #tpu.memory_space<hbm>> -> memref<500x16xf32, #tpu.memory_space<hbm>>
        tpu.enqueue_dma source(%arg9 : memref<500x16xf32, #tpu.memory_space<vmem>>) target(%dma_start3A_59 : memref<500x16xf32, #tpu.memory_space<hbm>>) target_semaphore(%run_scoped3A : memref<!tpu.dma_semaphore, #tpu.memory_space<semaphore_mem>>)
        %dma_wait3A_60 = arith.constant 0 : i32
        %dma_wait3A_61 = tpu.memref_slice %arg5[%select_n3A, %dma_wait3A_60] : memref<80000x16xf32, #tpu.memory_space<hbm>> -> memref<500x16xf32, #tpu.memory_space<hbm>>
        %dma_wait3A_62 = arith.constant 0 : i32
        %dma_wait3A_63 = tpu.memref_slice %arg5[%select_n3A, %dma_wait3A_62] : memref<80000x16xf32, #tpu.memory_space<hbm>> -> memref<500x16xf32, #tpu.memory_space<hbm>>
        tpu.wait_dma2 semaphore(%run_scoped3A : memref<!tpu.dma_semaphore, #tpu.memory_space<semaphore_mem>>) src(%arg9 : memref<500x16xf32, #tpu.memory_space<vmem>>) dst(%dma_wait3A_63 : memref<500x16xf32, #tpu.memory_space<hbm>>)
        tpu.yield
      }) : () -> ()
    }
    %scan3A_11 = arith.constant 5 : i32
    return
  }
}

#map = affine_map<(d0, d1) -> (0, 0)>
#map1 = affine_map<(d0, d1) -> (0)>
module attributes {stable_mosaic.version = 14 : i64} {
  func.func @k(%arg0: i32, %arg1: i32, %arg2: memref<80000x16xf32, #tpu.memory_space<hbm>>, %arg3: memref<160000xi32, #tpu.memory_space<hbm>>, %arg4: memref<160000xi32, #tpu.memory_space<hbm>>, %arg5: memref<40000x64xf32, #tpu.memory_space<hbm>>, %arg6: memref<10240x64xf32, #tpu.memory_space<hbm>>, %arg7: memref<40960x64xf32, #tpu.memory_space<hbm>>, %arg8: memref<400xi32, #tpu.memory_space<vmem>>, %arg9: memref<400xi32, #tpu.memory_space<vmem>>, %arg10: memref<400xi32, #tpu.memory_space<vmem>>, %arg11: memref<400xi32, #tpu.memory_space<vmem>>, %arg12: memref<200x16xf32, #tpu.memory_space<vmem>>, %arg13: memref<200x16xf32, #tpu.memory_space<vmem>>, %arg14: memref<400x64xf32, #tpu.memory_space<vmem>>, %arg15: memref<400x64xf32, #tpu.memory_space<vmem>>, %arg16: memref<10240x64xf32, #tpu.memory_space<vmem_shared>>, %arg17: memref<!tpu.dma_semaphore, #tpu.memory_space<semaphore_mem>>, %arg18: memref<!tpu.dma_semaphore, #tpu.memory_space<semaphore_mem>>, %arg19: memref<!tpu.dma_semaphore, #tpu.memory_space<semaphore_mem>>, %arg20: memref<!tpu.dma_semaphore, #tpu.memory_space<semaphore_mem>>, %arg21: memref<!tpu.dma_semaphore, #tpu.memory_space<semaphore_mem>>, %arg22: memref<!tpu.dma_semaphore, #tpu.memory_space<semaphore_mem>>) attributes {dimension_semantics = [#tpu.dimension_semantics<core_parallel>, #tpu.dimension_semantics<subcore_parallel>], iteration_bounds = array<i64: 2, 16>, scalar_prefetch = 0 : i64, scratch_operands = 15 : i64, tpu.core_type = #tpu.core_type<sc_vector_subcore>, window_params = [{transform_indices = #map}, {transform_indices = #map1}, {transform_indices = #map1}, {transform_indices = #map}, {transform_indices = #map}, {transform_indices = #map}]} {
    %scan3A = arith.constant 0 : i32
    %scan3A_0 = arith.constant 2 : i32
    %scan3A_1 = arith.addi %scan3A, %scan3A_0 : i32
    %scan3A_2 = arith.constant 1 : i32
    scf.for %scan3A_4 = %scan3A to %scan3A_1 step %scan3A_2  : i32 {
      %mul3A = arith.constant 1 : i32
      %mul3A_5 = arith.muli %scan3A_4, %mul3A : i32
      %add3A = arith.constant 0 : i32
      %add3A_6 = arith.addi %add3A, %mul3A_5 : i32
      %mul3A_7 = arith.constant 2 : i32
      %mul3A_8 = arith.muli %mul3A_7, %arg0 : i32
      %add3A_9 = arith.addi %mul3A_8, %add3A_6 : i32
      %mul3A_10 = arith.constant 640 : i32
      %mul3A_11 = arith.muli %arg1, %mul3A_10 : i32
      %mul3A_12 = arith.constant 640 : i32
      %mul3A_13 = arith.muli %arg1, %mul3A_12 : i32
      "tpu.region"() ({
        %run_scoped3A = tpu.sem_alloc : memref<!tpu.dma_semaphore, #tpu.memory_space<semaphore_mem>>
        %dma_start3A_106 = arith.constant 0 : i32
        %dma_start3A_107 = tpu.memref_slice %arg16[%mul3A_13, %dma_start3A_106] : memref<10240x64xf32, #tpu.memory_space<vmem_shared>> -> memref<640x64xf32, #tpu.memory_space<vmem_shared>>
        %dma_start3A_108 = arith.constant 0 : i32
        %dma_start3A_109 = tpu.memref_slice %arg6[%mul3A_11, %dma_start3A_108] : memref<10240x64xf32, #tpu.memory_space<hbm>> -> memref<640x64xf32, #tpu.memory_space<hbm>>
        tpu.enqueue_dma source(%dma_start3A_109 : memref<640x64xf32, #tpu.memory_space<hbm>>) target(%dma_start3A_107 : memref<640x64xf32, #tpu.memory_space<vmem_shared>>) target_semaphore(%run_scoped3A : memref<!tpu.dma_semaphore, #tpu.memory_space<semaphore_mem>>)
        %dma_wait3A_110 = arith.constant 0 : i32
        %dma_wait3A_111 = tpu.memref_slice %arg16[%mul3A_13, %dma_wait3A_110] : memref<10240x64xf32, #tpu.memory_space<vmem_shared>> -> memref<640x64xf32, #tpu.memory_space<vmem_shared>>
        %dma_wait3A_112 = arith.constant 0 : i32
        %dma_wait3A_113 = tpu.memref_slice %arg6[%mul3A_11, %dma_wait3A_112] : memref<10240x64xf32, #tpu.memory_space<hbm>> -> memref<640x64xf32, #tpu.memory_space<hbm>>
        tpu.wait_dma2 semaphore(%run_scoped3A : memref<!tpu.dma_semaphore, #tpu.memory_space<semaphore_mem>>) src(%dma_wait3A_113 : memref<640x64xf32, #tpu.memory_space<hbm>>) dst(%dma_wait3A_111 : memref<640x64xf32, #tpu.memory_space<vmem_shared>>)
        tpu.yield
      }) : () -> ()
      %barrier3A = arith.constant 0 : index
      tpu.barrier barrier_id(%barrier3A)
      %mul3A_14 = arith.constant 10000 : i32
      %mul3A_15 = arith.muli %add3A_9, %mul3A_14 : i32
      %mul3A_16 = arith.constant 2 : i32
      %mul3A_17 = arith.muli %add3A_9, %mul3A_16 : i32
      %add3A_18 = arith.constant 0 : i32
      %add3A_19 = arith.addi %mul3A_17, %add3A_18 : i32
      %broadcast_in_dim3A = vector.broadcast %add3A_19 : i32 to vector<16xi32>
      %mul3A_20 = arith.constant 2 : i32
      %mul3A_21 = arith.muli %add3A_9, %mul3A_20 : i32
      %add3A_22 = arith.constant 1 : i32
      %add3A_23 = arith.addi %mul3A_21, %add3A_22 : i32
      %broadcast_in_dim3A_24 = vector.broadcast %add3A_23 : i32 to vector<16xi32>
      %mul3A_25 = arith.constant 2 : i32
      %mul3A_26 = arith.muli %add3A_9, %mul3A_25 : i32
      %add3A_27 = arith.constant 8 : i32
      %add3A_28 = arith.addi %add3A_27, %mul3A_26 : i32
      %add3A_29 = arith.constant 0 : i32
      %add3A_30 = arith.addi %add3A_28, %add3A_29 : i32
      %broadcast_in_dim3A_31 = vector.broadcast %add3A_30 : i32 to vector<16xi32>
      %mul3A_32 = arith.constant 2 : i32
      %mul3A_33 = arith.muli %add3A_9, %mul3A_32 : i32
      %add3A_34 = arith.constant 8 : i32
      %add3A_35 = arith.addi %add3A_34, %mul3A_33 : i32
      %add3A_36 = arith.constant 1 : i32
      %add3A_37 = arith.addi %add3A_35, %add3A_36 : i32
      %broadcast_in_dim3A_38 = vector.broadcast %add3A_37 : i32 to vector<16xi32>
      %mul3A_39 = arith.constant 10000 : i32
      %mul3A_40 = arith.muli %arg1, %mul3A_39 : i32
      %add3A_41 = arith.constant 0 : i32
      %add3A_42 = arith.addi %mul3A_40, %add3A_41 : i32
      "tpu.region"() ({
        %run_scoped3A = tpu.sem_alloc : memref<!tpu.dma_semaphore, #tpu.memory_space<semaphore_mem>>
        %dma_start3A_106 = tpu.memref_slice %arg3[%add3A_42] : memref<160000xi32, #tpu.memory_space<hbm>> -> memref<400xi32, #tpu.memory_space<hbm>>
        %dma_start3A_107 = tpu.memref_slice %arg3[%add3A_42] : memref<160000xi32, #tpu.memory_space<hbm>> -> memref<400xi32, #tpu.memory_space<hbm>>
        tpu.enqueue_dma source(%dma_start3A_107 : memref<400xi32, #tpu.memory_space<hbm>>) target(%arg10 : memref<400xi32, #tpu.memory_space<vmem>>) target_semaphore(%run_scoped3A : memref<!tpu.dma_semaphore, #tpu.memory_space<semaphore_mem>>)
        %dma_wait3A_108 = tpu.memref_slice %arg3[%add3A_42] : memref<160000xi32, #tpu.memory_space<hbm>> -> memref<400xi32, #tpu.memory_space<hbm>>
        %dma_wait3A_109 = tpu.memref_slice %arg3[%add3A_42] : memref<160000xi32, #tpu.memory_space<hbm>> -> memref<400xi32, #tpu.memory_space<hbm>>
        tpu.wait_dma2 semaphore(%run_scoped3A : memref<!tpu.dma_semaphore, #tpu.memory_space<semaphore_mem>>) src(%dma_wait3A_109 : memref<400xi32, #tpu.memory_space<hbm>>) dst(%arg10 : memref<400xi32, #tpu.memory_space<vmem>>)
        tpu.yield
      }) : () -> ()
      "tpu.region"() ({
        %run_scoped3A = tpu.sem_alloc : memref<!tpu.dma_semaphore, #tpu.memory_space<semaphore_mem>>
        %dma_start3A_106 = tpu.memref_slice %arg4[%add3A_42] : memref<160000xi32, #tpu.memory_space<hbm>> -> memref<400xi32, #tpu.memory_space<hbm>>
        %dma_start3A_107 = tpu.memref_slice %arg4[%add3A_42] : memref<160000xi32, #tpu.memory_space<hbm>> -> memref<400xi32, #tpu.memory_space<hbm>>
        tpu.enqueue_dma source(%dma_start3A_107 : memref<400xi32, #tpu.memory_space<hbm>>) target(%arg8 : memref<400xi32, #tpu.memory_space<vmem>>) target_semaphore(%run_scoped3A : memref<!tpu.dma_semaphore, #tpu.memory_space<semaphore_mem>>)
        %dma_wait3A_108 = tpu.memref_slice %arg4[%add3A_42] : memref<160000xi32, #tpu.memory_space<hbm>> -> memref<400xi32, #tpu.memory_space<hbm>>
        %dma_wait3A_109 = tpu.memref_slice %arg4[%add3A_42] : memref<160000xi32, #tpu.memory_space<hbm>> -> memref<400xi32, #tpu.memory_space<hbm>>
        tpu.wait_dma2 semaphore(%run_scoped3A : memref<!tpu.dma_semaphore, #tpu.memory_space<semaphore_mem>>) src(%dma_wait3A_109 : memref<400xi32, #tpu.memory_space<hbm>>) dst(%arg8 : memref<400xi32, #tpu.memory_space<vmem>>)
        tpu.yield
      }) : () -> ()
      %scan3A_43 = arith.constant 0 : i32
      %scan3A_44 = arith.constant 25 : i32
      %scan3A_45 = arith.addi %scan3A_43, %scan3A_44 : i32
      %scan3A_46 = arith.constant 1 : i32
      scf.for %scan3A_106 = %scan3A_43 to %scan3A_45 step %scan3A_46  : i32 {
        %mul3A_107 = arith.constant 1 : i32
        %mul3A_108 = arith.muli %scan3A_106, %mul3A_107 : i32
        %add3A_109 = arith.constant 0 : i32
        %add3A_110 = arith.addi %add3A_109, %mul3A_108 : i32
        %mul3A_111 = arith.constant 16 : i32
        %mul3A_112 = arith.muli %add3A_110, %mul3A_111 : i32
        %get3A = arith.index_cast %mul3A_112 : i32 to index
        %get3A_113 = tpu.vector_load %arg10[%get3A] {strides = array<i32>} : memref<400xi32, #tpu.memory_space<vmem>>, vector<16xi32>,
        %add3A_114 = vector.broadcast %mul3A_15 : i32 to vector<16xi32>
        %add3A_115 = arith.addi %get3A_113, %add3A_114 : vector<16xi32>
        %swap3A = arith.index_cast %mul3A_112 : i32 to index
        %swap3A_116 = tpu.vector_load %arg10[%swap3A] {strides = array<i32>} : memref<400xi32, #tpu.memory_space<vmem>>, vector<16xi32>,
        tpu.vector_store %arg10[%swap3A], %add3A_115 {strides = array<i32>} : memref<400xi32, #tpu.memory_space<vmem>>, vector<16xi32>,
      }
      %scan3A_47 = arith.constant 25 : i32
      %dma_start3A = arith.constant 0 : i32
      %dma_start3A_48 = arith.constant 0 : i32
      %dma_start3A_49 = tpu.memref_slice %arg5[%dma_start3A, %dma_start3A_48] : memref<40000x64xf32, #tpu.memory_space<hbm>> -> memref<40000x64xf32, #tpu.memory_space<hbm>>
      tpu.enqueue_indirect_dma source(%dma_start3A_49 : memref<40000x64xf32, #tpu.memory_space<hbm>>) target(%arg14 : memref<400x64xf32, #tpu.memory_space<vmem>>) offsets(%arg10 : memref<400xi32, #tpu.memory_space<vmem>>) semaphore(%arg17 : memref<!tpu.dma_semaphore, #tpu.memory_space<semaphore_mem>>)
      %jit3A = arith.constant 2 : i32
      %div3A = arith.divsi %add3A_42, %jit3A : i32
      %sign3A = arith.constant 0 : i32
      %sign3A_50 = arith.cmpi sgt, %add3A_42, %sign3A : i32
      %sign3A_51 = arith.extui %sign3A_50 : i1 to i32
      %sign3A_52 = arith.constant 0 : i32
      %sign3A_53 = arith.cmpi slt, %add3A_42, %sign3A_52 : i32
      %sign3A_54 = arith.extui %sign3A_53 : i1 to i32
      %sign3A_55 = arith.subi %sign3A_51, %sign3A_54 : i32
      %sign3A_56 = arith.constant 0 : i32
      %sign3A_57 = arith.cmpi sgt, %jit3A, %sign3A_56 : i32
      %sign3A_58 = arith.extui %sign3A_57 : i1 to i32
      %sign3A_59 = arith.constant 0 : i32
      %sign3A_60 = arith.cmpi slt, %jit3A, %sign3A_59 : i32
      %sign3A_61 = arith.extui %sign3A_60 : i1 to i32
      %sign3A_62 = arith.subi %sign3A_58, %sign3A_61 : i32
      %ne3A = arith.cmpi ne, %sign3A_55, %sign3A_62 : i32
      %rem3A = arith.remsi %add3A_42, %jit3A : i32
      %ne3A_63 = arith.constant 0 : i32
      %ne3A_64 = arith.cmpi ne, %rem3A, %ne3A_63 : i32
      %and3A = arith.andi %ne3A, %ne3A_64 : i1
      %sub3A = arith.constant 1 : i32
      %sub3A_65 = arith.subi %div3A, %sub3A : i32
      %select_n3A = arith.select %and3A, %sub3A_65, %div3A : i32
      %dma_start3A_66 = arith.constant 0 : i32
      %dma_start3A_67 = tpu.memref_slice %arg2[%select_n3A, %dma_start3A_66] : memref<80000x16xf32, #tpu.memory_space<hbm>> -> memref<200x16xf32, #tpu.memory_space<hbm>>
      %dma_start3A_68 = arith.constant 0 : i32
      %dma_start3A_69 = tpu.memref_slice %arg2[%select_n3A, %dma_start3A_68] : memref<80000x16xf32, #tpu.memory_space<hbm>> -> memref<200x16xf32, #tpu.memory_space<hbm>>
      tpu.enqueue_dma source(%dma_start3A_69 : memref<200x16xf32, #tpu.memory_space<hbm>>) target(%arg12 : memref<200x16xf32, #tpu.memory_space<vmem>>) target_semaphore(%arg19 : memref<!tpu.dma_semaphore, #tpu.memory_space<semaphore_mem>>)
      %scan3A_70 = arith.constant 0 : i32
      %scan3A_71 = arith.constant 12 : i32
      %scan3A_72 = arith.addi %scan3A_70, %scan3A_71 : i32
      %scan3A_73 = arith.constant 1 : i32
      scf.for %scan3A_106 = %scan3A_70 to %scan3A_72 step %scan3A_73  : i32 {
        %mul3A_107 = arith.constant 2 : i32
        %mul3A_108 = arith.muli %scan3A_106, %mul3A_107 : i32
        %add3A_109 = arith.constant 0 : i32
        %add3A_110 = arith.addi %add3A_109, %mul3A_108 : i32
        %add3A_111 = arith.constant 1 : i32
        %add3A_112 = arith.addi %add3A_110, %add3A_111 : i32
        %ge3A = arith.constant 2 : i32
        %ge3A_113 = arith.cmpi sge, %add3A_112, %ge3A : i32
        %convert_element_type3A = arith.extui %ge3A_113 : i1 to i32
        %cond3A = arith.constant 0 : i32
        %cond3A_114 = arith.cmpi ne, %convert_element_type3A, %cond3A : i32
        scf.if %cond3A_114 {
          %dma_wait3A_238 = arith.constant 0 : i32
          %dma_wait3A_239 = arith.constant 0 : i32
          %dma_wait3A_240 = tpu.memref_slice %arg16[%dma_wait3A_238, %dma_wait3A_239] : memref<10240x64xf32, #tpu.memory_space<vmem_shared>> -> memref<10240x64xf32, #tpu.memory_space<vmem_shared>>
          tpu.wait_indirect_dma semaphore(%arg22 : memref<!tpu.dma_semaphore, #tpu.memory_space<semaphore_mem>>) src(%arg15 : memref<400x64xf32, #tpu.memory_space<vmem>>) dst(%dma_wait3A_240 : memref<10240x64xf32, #tpu.memory_space<vmem_shared>>)
        } else {
        }
        %mul3A_115 = arith.constant 10000 : i32
        %mul3A_116 = arith.muli %arg1, %mul3A_115 : i32
        %mul3A_117 = arith.constant 400 : i32
        %mul3A_118 = arith.muli %add3A_112, %mul3A_117 : i32
        %add3A_119 = arith.addi %mul3A_116, %mul3A_118 : i32
        "tpu.region"() ({
          %run_scoped3A = tpu.sem_alloc : memref<!tpu.dma_semaphore, #tpu.memory_space<semaphore_mem>>
          %dma_start3A_238 = tpu.memref_slice %arg3[%add3A_119] : memref<160000xi32, #tpu.memory_space<hbm>> -> memref<400xi32, #tpu.memory_space<hbm>>
          %dma_start3A_239 = tpu.memref_slice %arg3[%add3A_119] : memref<160000xi32, #tpu.memory_space<hbm>> -> memref<400xi32, #tpu.memory_space<hbm>>
          tpu.enqueue_dma source(%dma_start3A_239 : memref<400xi32, #tpu.memory_space<hbm>>) target(%arg11 : memref<400xi32, #tpu.memory_space<vmem>>) target_semaphore(%run_scoped3A : memref<!tpu.dma_semaphore, #tpu.memory_space<semaphore_mem>>)
          %dma_wait3A_240 = tpu.memref_slice %arg3[%add3A_119] : memref<160000xi32, #tpu.memory_space<hbm>> -> memref<400xi32, #tpu.memory_space<hbm>>
          %dma_wait3A_241 = tpu.memref_slice %arg3[%add3A_119] : memref<160000xi32, #tpu.memory_space<hbm>> -> memref<400xi32, #tpu.memory_space<hbm>>
          tpu.wait_dma2 semaphore(%run_scoped3A : memref<!tpu.dma_semaphore, #tpu.memory_space<semaphore_mem>>) src(%dma_wait3A_241 : memref<400xi32, #tpu.memory_space<hbm>>) dst(%arg11 : memref<400xi32, #tpu.memory_space<vmem>>)
          tpu.yield
        }) : () -> ()
        "tpu.region"() ({
          %run_scoped3A = tpu.sem_alloc : memref<!tpu.dma_semaphore, #tpu.memory_space<semaphore_mem>>
          %dma_start3A_238 = tpu.memref_slice %arg4[%add3A_119] : memref<160000xi32, #tpu.memory_space<hbm>> -> memref<400xi32, #tpu.memory_space<hbm>>
          %dma_start3A_239 = tpu.memref_slice %arg4[%add3A_119] : memref<160000xi32, #tpu.memory_space<hbm>> -> memref<400xi32, #tpu.memory_space<hbm>>
          tpu.enqueue_dma source(%dma_start3A_239 : memref<400xi32, #tpu.memory_space<hbm>>) target(%arg9 : memref<400xi32, #tpu.memory_space<vmem>>) target_semaphore(%run_scoped3A : memref<!tpu.dma_semaphore, #tpu.memory_space<semaphore_mem>>)
          %dma_wait3A_240 = tpu.memref_slice %arg4[%add3A_119] : memref<160000xi32, #tpu.memory_space<hbm>> -> memref<400xi32, #tpu.memory_space<hbm>>
          %dma_wait3A_241 = tpu.memref_slice %arg4[%add3A_119] : memref<160000xi32, #tpu.memory_space<hbm>> -> memref<400xi32, #tpu.memory_space<hbm>>
          tpu.wait_dma2 semaphore(%run_scoped3A : memref<!tpu.dma_semaphore, #tpu.memory_space<semaphore_mem>>) src(%dma_wait3A_241 : memref<400xi32, #tpu.memory_space<hbm>>) dst(%arg9 : memref<400xi32, #tpu.memory_space<vmem>>)
          tpu.yield
        }) : () -> ()
        %scan3A_120 = arith.constant 0 : i32
        %scan3A_121 = arith.constant 25 : i32
        %scan3A_122 = arith.addi %scan3A_120, %scan3A_121 : i32
        %scan3A_123 = arith.constant 1 : i32
        scf.for %scan3A_238 = %scan3A_120 to %scan3A_122 step %scan3A_123  : i32 {
          %mul3A_239 = arith.constant 1 : i32
          %mul3A_240 = arith.muli %scan3A_238, %mul3A_239 : i32
          %add3A_241 = arith.constant 0 : i32
          %add3A_242 = arith.addi %add3A_241, %mul3A_240 : i32
          %mul3A_243 = arith.constant 16 : i32
          %mul3A_244 = arith.muli %add3A_242, %mul3A_243 : i32
          %get3A = arith.index_cast %mul3A_244 : i32 to index
          %get3A_245 = tpu.vector_load %arg11[%get3A] {strides = array<i32>} : memref<400xi32, #tpu.memory_space<vmem>>, vector<16xi32>,
          %add3A_246 = vector.broadcast %mul3A_15 : i32 to vector<16xi32>
          %add3A_247 = arith.addi %get3A_245, %add3A_246 : vector<16xi32>
          %swap3A = arith.index_cast %mul3A_244 : i32 to index
          %swap3A_248 = tpu.vector_load %arg11[%swap3A] {strides = array<i32>} : memref<400xi32, #tpu.memory_space<vmem>>, vector<16xi32>,
          tpu.vector_store %arg11[%swap3A], %add3A_247 {strides = array<i32>} : memref<400xi32, #tpu.memory_space<vmem>>, vector<16xi32>,
        }
        %scan3A_124 = arith.constant 25 : i32
        %dma_start3A_125 = arith.constant 0 : i32
        %dma_start3A_126 = arith.constant 0 : i32
        %dma_start3A_127 = tpu.memref_slice %arg5[%dma_start3A_125, %dma_start3A_126] : memref<40000x64xf32, #tpu.memory_space<hbm>> -> memref<40000x64xf32, #tpu.memory_space<hbm>>
        tpu.enqueue_indirect_dma source(%dma_start3A_127 : memref<40000x64xf32, #tpu.memory_space<hbm>>) target(%arg15 : memref<400x64xf32, #tpu.memory_space<vmem>>) offsets(%arg11 : memref<400xi32, #tpu.memory_space<vmem>>) semaphore(%arg18 : memref<!tpu.dma_semaphore, #tpu.memory_space<semaphore_mem>>)
        %jit3A_128 = arith.constant 2 : i32
        %div3A_129 = arith.divsi %add3A_119, %jit3A_128 : i32
        %sign3A_130 = arith.constant 0 : i32
        %sign3A_131 = arith.cmpi sgt, %add3A_119, %sign3A_130 : i32
        %sign3A_132 = arith.extui %sign3A_131 : i1 to i32
        %sign3A_133 = arith.constant 0 : i32
        %sign3A_134 = arith.cmpi slt, %add3A_119, %sign3A_133 : i32
        %sign3A_135 = arith.extui %sign3A_134 : i1 to i32
        %sign3A_136 = arith.subi %sign3A_132, %sign3A_135 : i32
        %sign3A_137 = arith.constant 0 : i32
        %sign3A_138 = arith.cmpi sgt, %jit3A_128, %sign3A_137 : i32
        %sign3A_139 = arith.extui %sign3A_138 : i1 to i32
        %sign3A_140 = arith.constant 0 : i32
        %sign3A_141 = arith.cmpi slt, %jit3A_128, %sign3A_140 : i32
        %sign3A_142 = arith.extui %sign3A_141 : i1 to i32
        %sign3A_143 = arith.subi %sign3A_139, %sign3A_142 : i32
        %ne3A_144 = arith.cmpi ne, %sign3A_136, %sign3A_143 : i32
        %rem3A_145 = arith.remsi %add3A_119, %jit3A_128 : i32
        %ne3A_146 = arith.constant 0 : i32
        %ne3A_147 = arith.cmpi ne, %rem3A_145, %ne3A_146 : i32
        %and3A_148 = arith.andi %ne3A_144, %ne3A_147 : i1
        %sub3A_149 = arith.constant 1 : i32
        %sub3A_150 = arith.subi %div3A_129, %sub3A_149 : i32
        %select_n3A_151 = arith.select %and3A_148, %sub3A_150, %div3A_129 : i32
        %dma_start3A_152 = arith.constant 0 : i32
        %dma_start3A_153 = tpu.memref_slice %arg2[%select_n3A_151, %dma_start3A_152] : memref<80000x16xf32, #tpu.memory_space<hbm>> -> memref<200x16xf32, #tpu.memory_space<hbm>>
        %dma_start3A_154 = arith.constant 0 : i32
        %dma_start3A_155 = tpu.memref_slice %arg2[%select_n3A_151, %dma_start3A_154] : memref<80000x16xf32, #tpu.memory_space<hbm>> -> memref<200x16xf32, #tpu.memory_space<hbm>>
        tpu.enqueue_dma source(%dma_start3A_155 : memref<200x16xf32, #tpu.memory_space<hbm>>) target(%arg13 : memref<200x16xf32, #tpu.memory_space<vmem>>) target_semaphore(%arg20 : memref<!tpu.dma_semaphore, #tpu.memory_space<semaphore_mem>>)
        %dma_wait3A_156 = arith.constant 0 : i32
        %dma_wait3A_157 = arith.constant 0 : i32
        %dma_wait3A_158 = tpu.memref_slice %arg5[%dma_wait3A_156, %dma_wait3A_157] : memref<40000x64xf32, #tpu.memory_space<hbm>> -> memref<40000x64xf32, #tpu.memory_space<hbm>>
        tpu.wait_indirect_dma semaphore(%arg17 : memref<!tpu.dma_semaphore, #tpu.memory_space<semaphore_mem>>) src(%dma_wait3A_158 : memref<40000x64xf32, #tpu.memory_space<hbm>>) dst(%arg14 : memref<400x64xf32, #tpu.memory_space<vmem>>)
        %dma_wait3A_159 = arith.constant 0 : i32
        %dma_wait3A_160 = arith.constant 0 : i32
        %dma_wait3A_161 = tpu.memref_slice %arg2[%dma_wait3A_159, %dma_wait3A_160] : memref<80000x16xf32, #tpu.memory_space<hbm>> -> memref<200x16xf32, #tpu.memory_space<hbm>>
        %dma_wait3A_162 = arith.constant 0 : i32
        %dma_wait3A_163 = arith.constant 0 : i32
        %dma_wait3A_164 = tpu.memref_slice %arg2[%dma_wait3A_162, %dma_wait3A_163] : memref<80000x16xf32, #tpu.memory_space<hbm>> -> memref<200x16xf32, #tpu.memory_space<hbm>>
        tpu.wait_dma2 semaphore(%arg19 : memref<!tpu.dma_semaphore, #tpu.memory_space<semaphore_mem>>) src(%dma_wait3A_164 : memref<200x16xf32, #tpu.memory_space<hbm>>) dst(%arg12 : memref<200x16xf32, #tpu.memory_space<vmem>>)
        %scan3A_165 = arith.constant 0 : i32
        %scan3A_166 = arith.constant 200 : i32
        %scan3A_167 = arith.addi %scan3A_165, %scan3A_166 : i32
        %scan3A_168 = arith.constant 1 : i32
        scf.for %scan3A_238 = %scan3A_165 to %scan3A_167 step %scan3A_168  : i32 {
          %mul3A_239 = arith.constant 2 : i32
          %mul3A_240 = arith.muli %scan3A_238, %mul3A_239 : i32
          %add3A_241 = arith.constant 0 : i32
          %add3A_242 = arith.addi %add3A_241, %mul3A_240 : i32
          %jit3A_243 = arith.constant 2 : i32
          %div3A_244 = arith.divsi %add3A_242, %jit3A_243 : i32
          %sign3A_245 = arith.constant 0 : i32
          %sign3A_246 = arith.cmpi sgt, %add3A_242, %sign3A_245 : i32
          %sign3A_247 = arith.extui %sign3A_246 : i1 to i32
          %sign3A_248 = arith.constant 0 : i32
          %sign3A_249 = arith.cmpi slt, %add3A_242, %sign3A_248 : i32
          %sign3A_250 = arith.extui %sign3A_249 : i1 to i32
          %sign3A_251 = arith.subi %sign3A_247, %sign3A_250 : i32
          %sign3A_252 = arith.constant 0 : i32
          %sign3A_253 = arith.cmpi sgt, %jit3A_243, %sign3A_252 : i32
          %sign3A_254 = arith.extui %sign3A_253 : i1 to i32
          %sign3A_255 = arith.constant 0 : i32
          %sign3A_256 = arith.cmpi slt, %jit3A_243, %sign3A_255 : i32
          %sign3A_257 = arith.extui %sign3A_256 : i1 to i32
          %sign3A_258 = arith.subi %sign3A_254, %sign3A_257 : i32
          %ne3A_259 = arith.cmpi ne, %sign3A_251, %sign3A_258 : i32
          %rem3A_260 = arith.remsi %add3A_242, %jit3A_243 : i32
          %ne3A_261 = arith.constant 0 : i32
          %ne3A_262 = arith.cmpi ne, %rem3A_260, %ne3A_261 : i32
          %and3A_263 = arith.andi %ne3A_259, %ne3A_262 : i1
          %sub3A_264 = arith.constant 1 : i32
          %sub3A_265 = arith.subi %div3A_244, %sub3A_264 : i32
          %select_n3A_266 = arith.select %and3A_263, %sub3A_265, %div3A_244 : i32
          %broadcast_in_dim3A_267 = vector.broadcast %select_n3A_266 : i32 to vector<16xi32>
          %gather3A = tpu.vector_load_idx %arg12[%broadcast_in_dim3A_267, %broadcast_in_dim3A] : memref<200x16xf32, #tpu.memory_space<vmem>>[vector<16xi32>, vector<16xi32>], vector<16xf32>,
          %gather3A_268 = tpu.vector_load_idx %arg12[%broadcast_in_dim3A_267, %broadcast_in_dim3A_24] : memref<200x16xf32, #tpu.memory_space<vmem>>[vector<16xi32>, vector<16xi32>], vector<16xf32>,
          %gather3A_269 = tpu.vector_load_idx %arg12[%broadcast_in_dim3A_267, %broadcast_in_dim3A_31] : memref<200x16xf32, #tpu.memory_space<vmem>>[vector<16xi32>, vector<16xi32>], vector<16xf32>,
          %gather3A_270 = tpu.vector_load_idx %arg12[%broadcast_in_dim3A_267, %broadcast_in_dim3A_38] : memref<200x16xf32, #tpu.memory_space<vmem>>[vector<16xi32>, vector<16xi32>], vector<16xf32>,
          %get3A = arith.index_cast %add3A_242 : i32 to index
          %get3A_271 = arith.constant 0 : index
          %get3A_272 = tpu.vector_load %arg14[%get3A, %get3A_271] {strides = array<i32>} : memref<400x64xf32, #tpu.memory_space<vmem>>, vector<16xf32>,
          %mul3A_273 = arith.mulf %get3A_272, %gather3A : vector<16xf32>
          %swap3A = arith.index_cast %add3A_242 : i32 to index
          %swap3A_274 = arith.constant 0 : index
          %swap3A_275 = tpu.vector_load %arg14[%swap3A, %swap3A_274] {strides = array<i32>} : memref<400x64xf32, #tpu.memory_space<vmem>>, vector<16xf32>,
          tpu.vector_store %arg14[%swap3A, %swap3A_274], %mul3A_273 {strides = array<i32>} : memref<400x64xf32, #tpu.memory_space<vmem>>, vector<16xf32>,
          %get3A_276 = arith.index_cast %add3A_242 : i32 to index
          %get3A_277 = arith.constant 16 : index
          %get3A_278 = tpu.vector_load %arg14[%get3A_276, %get3A_277] {strides = array<i32>} : memref<400x64xf32, #tpu.memory_space<vmem>>, vector<16xf32>,
          %mul3A_279 = arith.mulf %get3A_278, %gather3A : vector<16xf32>
          %swap3A_280 = arith.index_cast %add3A_242 : i32 to index
          %swap3A_281 = arith.constant 16 : index
          %swap3A_282 = tpu.vector_load %arg14[%swap3A_280, %swap3A_281] {strides = array<i32>} : memref<400x64xf32, #tpu.memory_space<vmem>>, vector<16xf32>,
          tpu.vector_store %arg14[%swap3A_280, %swap3A_281], %mul3A_279 {strides = array<i32>} : memref<400x64xf32, #tpu.memory_space<vmem>>, vector<16xf32>,
          %get3A_283 = arith.index_cast %add3A_242 : i32 to index
          %get3A_284 = arith.constant 32 : index
          %get3A_285 = tpu.vector_load %arg14[%get3A_283, %get3A_284] {strides = array<i32>} : memref<400x64xf32, #tpu.memory_space<vmem>>, vector<16xf32>,
          %mul3A_286 = arith.mulf %get3A_285, %gather3A_268 : vector<16xf32>
          %swap3A_287 = arith.index_cast %add3A_242 : i32 to index
          %swap3A_288 = arith.constant 32 : index
          %swap3A_289 = tpu.vector_load %arg14[%swap3A_287, %swap3A_288] {strides = array<i32>} : memref<400x64xf32, #tpu.memory_space<vmem>>, vector<16xf32>,
          tpu.vector_store %arg14[%swap3A_287, %swap3A_288], %mul3A_286 {strides = array<i32>} : memref<400x64xf32, #tpu.memory_space<vmem>>, vector<16xf32>,
          %get3A_290 = arith.index_cast %add3A_242 : i32 to index
          %get3A_291 = arith.constant 48 : index
          %get3A_292 = tpu.vector_load %arg14[%get3A_290, %get3A_291] {strides = array<i32>} : memref<400x64xf32, #tpu.memory_space<vmem>>, vector<16xf32>,
          %mul3A_293 = arith.mulf %get3A_292, %gather3A_268 : vector<16xf32>
          %swap3A_294 = arith.index_cast %add3A_242 : i32 to index
          %swap3A_295 = arith.constant 48 : index
          %swap3A_296 = tpu.vector_load %arg14[%swap3A_294, %swap3A_295] {strides = array<i32>} : memref<400x64xf32, #tpu.memory_space<vmem>>, vector<16xf32>,
          tpu.vector_store %arg14[%swap3A_294, %swap3A_295], %mul3A_293 {strides = array<i32>} : memref<400x64xf32, #tpu.memory_space<vmem>>, vector<16xf32>,
          %add3A_297 = arith.constant 1 : i32
          %add3A_298 = arith.addi %add3A_242, %add3A_297 : i32
          %get3A_299 = arith.index_cast %add3A_298 : i32 to index
          %get3A_300 = arith.constant 0 : index
          %get3A_301 = tpu.vector_load %arg14[%get3A_299, %get3A_300] {strides = array<i32>} : memref<400x64xf32, #tpu.memory_space<vmem>>, vector<16xf32>,
          %mul3A_302 = arith.mulf %get3A_301, %gather3A_269 : vector<16xf32>
          %add3A_303 = arith.constant 1 : i32
          %add3A_304 = arith.addi %add3A_242, %add3A_303 : i32
          %swap3A_305 = arith.index_cast %add3A_304 : i32 to index
          %swap3A_306 = arith.constant 0 : index
          %swap3A_307 = tpu.vector_load %arg14[%swap3A_305, %swap3A_306] {strides = array<i32>} : memref<400x64xf32, #tpu.memory_space<vmem>>, vector<16xf32>,
          tpu.vector_store %arg14[%swap3A_305, %swap3A_306], %mul3A_302 {strides = array<i32>} : memref<400x64xf32, #tpu.memory_space<vmem>>, vector<16xf32>,
          %add3A_308 = arith.constant 1 : i32
          %add3A_309 = arith.addi %add3A_242, %add3A_308 : i32
          %get3A_310 = arith.index_cast %add3A_309 : i32 to index
          %get3A_311 = arith.constant 16 : index
          %get3A_312 = tpu.vector_load %arg14[%get3A_310, %get3A_311] {strides = array<i32>} : memref<400x64xf32, #tpu.memory_space<vmem>>, vector<16xf32>,
          %mul3A_313 = arith.mulf %get3A_312, %gather3A_269 : vector<16xf32>
          %add3A_314 = arith.constant 1 : i32
          %add3A_315 = arith.addi %add3A_242, %add3A_314 : i32
          %swap3A_316 = arith.index_cast %add3A_315 : i32 to index
          %swap3A_317 = arith.constant 16 : index
          %swap3A_318 = tpu.vector_load %arg14[%swap3A_316, %swap3A_317] {strides = array<i32>} : memref<400x64xf32, #tpu.memory_space<vmem>>, vector<16xf32>,
          tpu.vector_store %arg14[%swap3A_316, %swap3A_317], %mul3A_313 {strides = array<i32>} : memref<400x64xf32, #tpu.memory_space<vmem>>, vector<16xf32>,
          %add3A_319 = arith.constant 1 : i32
          %add3A_320 = arith.addi %add3A_242, %add3A_319 : i32
          %get3A_321 = arith.index_cast %add3A_320 : i32 to index
          %get3A_322 = arith.constant 32 : index
          %get3A_323 = tpu.vector_load %arg14[%get3A_321, %get3A_322] {strides = array<i32>} : memref<400x64xf32, #tpu.memory_space<vmem>>, vector<16xf32>,
          %mul3A_324 = arith.mulf %get3A_323, %gather3A_270 : vector<16xf32>
          %add3A_325 = arith.constant 1 : i32
          %add3A_326 = arith.addi %add3A_242, %add3A_325 : i32
          %swap3A_327 = arith.index_cast %add3A_326 : i32 to index
          %swap3A_328 = arith.constant 32 : index
          %swap3A_329 = tpu.vector_load %arg14[%swap3A_327, %swap3A_328] {strides = array<i32>} : memref<400x64xf32, #tpu.memory_space<vmem>>, vector<16xf32>,
          tpu.vector_store %arg14[%swap3A_327, %swap3A_328], %mul3A_324 {strides = array<i32>} : memref<400x64xf32, #tpu.memory_space<vmem>>, vector<16xf32>,
          %add3A_330 = arith.constant 1 : i32
          %add3A_331 = arith.addi %add3A_242, %add3A_330 : i32
          %get3A_332 = arith.index_cast %add3A_331 : i32 to index
          %get3A_333 = arith.constant 48 : index
          %get3A_334 = tpu.vector_load %arg14[%get3A_332, %get3A_333] {strides = array<i32>} : memref<400x64xf32, #tpu.memory_space<vmem>>, vector<16xf32>,
          %mul3A_335 = arith.mulf %get3A_334, %gather3A_270 : vector<16xf32>
          %add3A_336 = arith.constant 1 : i32
          %add3A_337 = arith.addi %add3A_242, %add3A_336 : i32
          %swap3A_338 = arith.index_cast %add3A_337 : i32 to index
          %swap3A_339 = arith.constant 48 : index
          %swap3A_340 = tpu.vector_load %arg14[%swap3A_338, %swap3A_339] {strides = array<i32>} : memref<400x64xf32, #tpu.memory_space<vmem>>, vector<16xf32>,
          tpu.vector_store %arg14[%swap3A_338, %swap3A_339], %mul3A_335 {strides = array<i32>} : memref<400x64xf32, #tpu.memory_space<vmem>>, vector<16xf32>,
        }
        %scan3A_169 = arith.constant 200 : i32
        %dma_start3A_170 = arith.constant 0 : i32
        %dma_start3A_171 = arith.constant 0 : i32
        %dma_start3A_172 = tpu.memref_slice %arg16[%dma_start3A_170, %dma_start3A_171] : memref<10240x64xf32, #tpu.memory_space<vmem_shared>> -> memref<10240x64xf32, #tpu.memory_space<vmem_shared>>
        tpu.enqueue_indirect_dma source(%arg14 : memref<400x64xf32, #tpu.memory_space<vmem>>) target(%dma_start3A_172 : memref<10240x64xf32, #tpu.memory_space<vmem_shared>>) offsets(%arg8 : memref<400xi32, #tpu.memory_space<vmem>>) semaphore(%arg21 : memref<!tpu.dma_semaphore, #tpu.memory_space<semaphore_mem>>) {add = true}
        %add3A_173 = arith.constant 2 : i32
        %add3A_174 = arith.addi %add3A_110, %add3A_173 : i32
        %ge3A_175 = arith.constant 2 : i32
        %ge3A_176 = arith.cmpi sge, %add3A_174, %ge3A_175 : i32
        %convert_element_type3A_177 = arith.extui %ge3A_176 : i1 to i32
        %cond3A_178 = arith.constant 0 : i32
        %cond3A_179 = arith.cmpi ne, %convert_element_type3A_177, %cond3A_178 : i32
        scf.if %cond3A_179 {
          %dma_wait3A_238 = arith.constant 0 : i32
          %dma_wait3A_239 = arith.constant 0 : i32
          %dma_wait3A_240 = tpu.memref_slice %arg16[%dma_wait3A_238, %dma_wait3A_239] : memref<10240x64xf32, #tpu.memory_space<vmem_shared>> -> memref<10240x64xf32, #tpu.memory_space<vmem_shared>>
          tpu.wait_indirect_dma semaphore(%arg21 : memref<!tpu.dma_semaphore, #tpu.memory_space<semaphore_mem>>) src(%arg14 : memref<400x64xf32, #tpu.memory_space<vmem>>) dst(%dma_wait3A_240 : memref<10240x64xf32, #tpu.memory_space<vmem_shared>>)
        } else {
        }
        %mul3A_180 = arith.constant 10000 : i32
        %mul3A_181 = arith.muli %arg1, %mul3A_180 : i32
        %mul3A_182 = arith.constant 400 : i32
        %mul3A_183 = arith.muli %add3A_174, %mul3A_182 : i32
        %add3A_184 = arith.addi %mul3A_181, %mul3A_183 : i32
        "tpu.region"() ({
          %run_scoped3A = tpu.sem_alloc : memref<!tpu.dma_semaphore, #tpu.memory_space<semaphore_mem>>
          %dma_start3A_238 = tpu.memref_slice %arg3[%add3A_184] : memref<160000xi32, #tpu.memory_space<hbm>> -> memref<400xi32, #tpu.memory_space<hbm>>
          %dma_start3A_239 = tpu.memref_slice %arg3[%add3A_184] : memref<160000xi32, #tpu.memory_space<hbm>> -> memref<400xi32, #tpu.memory_space<hbm>>
          tpu.enqueue_dma source(%dma_start3A_239 : memref<400xi32, #tpu.memory_space<hbm>>) target(%arg10 : memref<400xi32, #tpu.memory_space<vmem>>) target_semaphore(%run_scoped3A : memref<!tpu.dma_semaphore, #tpu.memory_space<semaphore_mem>>)
          %dma_wait3A_240 = tpu.memref_slice %arg3[%add3A_184] : memref<160000xi32, #tpu.memory_space<hbm>> -> memref<400xi32, #tpu.memory_space<hbm>>
          %dma_wait3A_241 = tpu.memref_slice %arg3[%add3A_184] : memref<160000xi32, #tpu.memory_space<hbm>> -> memref<400xi32, #tpu.memory_space<hbm>>
          tpu.wait_dma2 semaphore(%run_scoped3A : memref<!tpu.dma_semaphore, #tpu.memory_space<semaphore_mem>>) src(%dma_wait3A_241 : memref<400xi32, #tpu.memory_space<hbm>>) dst(%arg10 : memref<400xi32, #tpu.memory_space<vmem>>)
          tpu.yield
        }) : () -> ()
        "tpu.region"() ({
          %run_scoped3A = tpu.sem_alloc : memref<!tpu.dma_semaphore, #tpu.memory_space<semaphore_mem>>
          %dma_start3A_238 = tpu.memref_slice %arg4[%add3A_184] : memref<160000xi32, #tpu.memory_space<hbm>> -> memref<400xi32, #tpu.memory_space<hbm>>
          %dma_start3A_239 = tpu.memref_slice %arg4[%add3A_184] : memref<160000xi32, #tpu.memory_space<hbm>> -> memref<400xi32, #tpu.memory_space<hbm>>
          tpu.enqueue_dma source(%dma_start3A_239 : memref<400xi32, #tpu.memory_space<hbm>>) target(%arg8 : memref<400xi32, #tpu.memory_space<vmem>>) target_semaphore(%run_scoped3A : memref<!tpu.dma_semaphore, #tpu.memory_space<semaphore_mem>>)
          %dma_wait3A_240 = tpu.memref_slice %arg4[%add3A_184] : memref<160000xi32, #tpu.memory_space<hbm>> -> memref<400xi32, #tpu.memory_space<hbm>>
          %dma_wait3A_241 = tpu.memref_slice %arg4[%add3A_184] : memref<160000xi32, #tpu.memory_space<hbm>> -> memref<400xi32, #tpu.memory_space<hbm>>
          tpu.wait_dma2 semaphore(%run_scoped3A : memref<!tpu.dma_semaphore, #tpu.memory_space<semaphore_mem>>) src(%dma_wait3A_241 : memref<400xi32, #tpu.memory_space<hbm>>) dst(%arg8 : memref<400xi32, #tpu.memory_space<vmem>>)
          tpu.yield
        }) : () -> ()
        %scan3A_185 = arith.constant 0 : i32
        %scan3A_186 = arith.constant 25 : i32
        %scan3A_187 = arith.addi %scan3A_185, %scan3A_186 : i32
        %scan3A_188 = arith.constant 1 : i32
        scf.for %scan3A_238 = %scan3A_185 to %scan3A_187 step %scan3A_188  : i32 {
          %mul3A_239 = arith.constant 1 : i32
          %mul3A_240 = arith.muli %scan3A_238, %mul3A_239 : i32
          %add3A_241 = arith.constant 0 : i32
          %add3A_242 = arith.addi %add3A_241, %mul3A_240 : i32
          %mul3A_243 = arith.constant 16 : i32
          %mul3A_244 = arith.muli %add3A_242, %mul3A_243 : i32
          %get3A = arith.index_cast %mul3A_244 : i32 to index
          %get3A_245 = tpu.vector_load %arg10[%get3A] {strides = array<i32>} : memref<400xi32, #tpu.memory_space<vmem>>, vector<16xi32>,
          %add3A_246 = vector.broadcast %mul3A_15 : i32 to vector<16xi32>
          %add3A_247 = arith.addi %get3A_245, %add3A_246 : vector<16xi32>
          %swap3A = arith.index_cast %mul3A_244 : i32 to index
          %swap3A_248 = tpu.vector_load %arg10[%swap3A] {strides = array<i32>} : memref<400xi32, #tpu.memory_space<vmem>>, vector<16xi32>,
          tpu.vector_store %arg10[%swap3A], %add3A_247 {strides = array<i32>} : memref<400xi32, #tpu.memory_space<vmem>>, vector<16xi32>,
        }
        %scan3A_189 = arith.constant 25 : i32
        %dma_start3A_190 = arith.constant 0 : i32
        %dma_start3A_191 = arith.constant 0 : i32
        %dma_start3A_192 = tpu.memref_slice %arg5[%dma_start3A_190, %dma_start3A_191] : memref<40000x64xf32, #tpu.memory_space<hbm>> -> memref<40000x64xf32, #tpu.memory_space<hbm>>
        tpu.enqueue_indirect_dma source(%dma_start3A_192 : memref<40000x64xf32, #tpu.memory_space<hbm>>) target(%arg14 : memref<400x64xf32, #tpu.memory_space<vmem>>) offsets(%arg10 : memref<400xi32, #tpu.memory_space<vmem>>) semaphore(%arg17 : memref<!tpu.dma_semaphore, #tpu.memory_space<semaphore_mem>>)
        %jit3A_193 = arith.constant 2 : i32
        %div3A_194 = arith.divsi %add3A_184, %jit3A_193 : i32
        %sign3A_195 = arith.constant 0 : i32
        %sign3A_196 = arith.cmpi sgt, %add3A_184, %sign3A_195 : i32
        %sign3A_197 = arith.extui %sign3A_196 : i1 to i32
        %sign3A_198 = arith.constant 0 : i32
        %sign3A_199 = arith.cmpi slt, %add3A_184, %sign3A_198 : i32
        %sign3A_200 = arith.extui %sign3A_199 : i1 to i32
        %sign3A_201 = arith.subi %sign3A_197, %sign3A_200 : i32
        %sign3A_202 = arith.constant 0 : i32
        %sign3A_203 = arith.cmpi sgt, %jit3A_193, %sign3A_202 : i32
        %sign3A_204 = arith.extui %sign3A_203 : i1 to i32
        %sign3A_205 = arith.constant 0 : i32
        %sign3A_206 = arith.cmpi slt, %jit3A_193, %sign3A_205 : i32
        %sign3A_207 = arith.extui %sign3A_206 : i1 to i32
        %sign3A_208 = arith.subi %sign3A_204, %sign3A_207 : i32
        %ne3A_209 = arith.cmpi ne, %sign3A_201, %sign3A_208 : i32
        %rem3A_210 = arith.remsi %add3A_184, %jit3A_193 : i32
        %ne3A_211 = arith.constant 0 : i32
        %ne3A_212 = arith.cmpi ne, %rem3A_210, %ne3A_211 : i32
        %and3A_213 = arith.andi %ne3A_209, %ne3A_212 : i1
        %sub3A_214 = arith.constant 1 : i32
        %sub3A_215 = arith.subi %div3A_194, %sub3A_214 : i32
        %select_n3A_216 = arith.select %and3A_213, %sub3A_215, %div3A_194 : i32
        %dma_start3A_217 = arith.constant 0 : i32
        %dma_start3A_218 = tpu.memref_slice %arg2[%select_n3A_216, %dma_start3A_217] : memref<80000x16xf32, #tpu.memory_space<hbm>> -> memref<200x16xf32, #tpu.memory_space<hbm>>
        %dma_start3A_219 = arith.constant 0 : i32
        %dma_start3A_220 = tpu.memref_slice %arg2[%select_n3A_216, %dma_start3A_219] : memref<80000x16xf32, #tpu.memory_space<hbm>> -> memref<200x16xf32, #tpu.memory_space<hbm>>
        tpu.enqueue_dma source(%dma_start3A_220 : memref<200x16xf32, #tpu.memory_space<hbm>>) target(%arg12 : memref<200x16xf32, #tpu.memory_space<vmem>>) target_semaphore(%arg19 : memref<!tpu.dma_semaphore, #tpu.memory_space<semaphore_mem>>)
        %dma_wait3A_221 = arith.constant 0 : i32
        %dma_wait3A_222 = arith.constant 0 : i32
        %dma_wait3A_223 = tpu.memref_slice %arg5[%dma_wait3A_221, %dma_wait3A_222] : memref<40000x64xf32, #tpu.memory_space<hbm>> -> memref<40000x64xf32, #tpu.memory_space<hbm>>
        tpu.wait_indirect_dma semaphore(%arg18 : memref<!tpu.dma_semaphore, #tpu.memory_space<semaphore_mem>>) src(%dma_wait3A_223 : memref<40000x64xf32, #tpu.memory_space<hbm>>) dst(%arg15 : memref<400x64xf32, #tpu.memory_space<vmem>>)
        %dma_wait3A_224 = arith.constant 0 : i32
        %dma_wait3A_225 = arith.constant 0 : i32
        %dma_wait3A_226 = tpu.memref_slice %arg2[%dma_wait3A_224, %dma_wait3A_225] : memref<80000x16xf32, #tpu.memory_space<hbm>> -> memref<200x16xf32, #tpu.memory_space<hbm>>
        %dma_wait3A_227 = arith.constant 0 : i32
        %dma_wait3A_228 = arith.constant 0 : i32
        %dma_wait3A_229 = tpu.memref_slice %arg2[%dma_wait3A_227, %dma_wait3A_228] : memref<80000x16xf32, #tpu.memory_space<hbm>> -> memref<200x16xf32, #tpu.memory_space<hbm>>
        tpu.wait_dma2 semaphore(%arg20 : memref<!tpu.dma_semaphore, #tpu.memory_space<semaphore_mem>>) src(%dma_wait3A_229 : memref<200x16xf32, #tpu.memory_space<hbm>>) dst(%arg13 : memref<200x16xf32, #tpu.memory_space<vmem>>)
        %scan3A_230 = arith.constant 0 : i32
        %scan3A_231 = arith.constant 200 : i32
        %scan3A_232 = arith.addi %scan3A_230, %scan3A_231 : i32
        %scan3A_233 = arith.constant 1 : i32
        scf.for %scan3A_238 = %scan3A_230 to %scan3A_232 step %scan3A_233  : i32 {
          %mul3A_239 = arith.constant 2 : i32
          %mul3A_240 = arith.muli %scan3A_238, %mul3A_239 : i32
          %add3A_241 = arith.constant 0 : i32
          %add3A_242 = arith.addi %add3A_241, %mul3A_240 : i32
          %jit3A_243 = arith.constant 2 : i32
          %div3A_244 = arith.divsi %add3A_242, %jit3A_243 : i32
          %sign3A_245 = arith.constant 0 : i32
          %sign3A_246 = arith.cmpi sgt, %add3A_242, %sign3A_245 : i32
          %sign3A_247 = arith.extui %sign3A_246 : i1 to i32
          %sign3A_248 = arith.constant 0 : i32
          %sign3A_249 = arith.cmpi slt, %add3A_242, %sign3A_248 : i32
          %sign3A_250 = arith.extui %sign3A_249 : i1 to i32
          %sign3A_251 = arith.subi %sign3A_247, %sign3A_250 : i32
          %sign3A_252 = arith.constant 0 : i32
          %sign3A_253 = arith.cmpi sgt, %jit3A_243, %sign3A_252 : i32
          %sign3A_254 = arith.extui %sign3A_253 : i1 to i32
          %sign3A_255 = arith.constant 0 : i32
          %sign3A_256 = arith.cmpi slt, %jit3A_243, %sign3A_255 : i32
          %sign3A_257 = arith.extui %sign3A_256 : i1 to i32
          %sign3A_258 = arith.subi %sign3A_254, %sign3A_257 : i32
          %ne3A_259 = arith.cmpi ne, %sign3A_251, %sign3A_258 : i32
          %rem3A_260 = arith.remsi %add3A_242, %jit3A_243 : i32
          %ne3A_261 = arith.constant 0 : i32
          %ne3A_262 = arith.cmpi ne, %rem3A_260, %ne3A_261 : i32
          %and3A_263 = arith.andi %ne3A_259, %ne3A_262 : i1
          %sub3A_264 = arith.constant 1 : i32
          %sub3A_265 = arith.subi %div3A_244, %sub3A_264 : i32
          %select_n3A_266 = arith.select %and3A_263, %sub3A_265, %div3A_244 : i32
          %broadcast_in_dim3A_267 = vector.broadcast %select_n3A_266 : i32 to vector<16xi32>
          %gather3A = tpu.vector_load_idx %arg13[%broadcast_in_dim3A_267, %broadcast_in_dim3A] : memref<200x16xf32, #tpu.memory_space<vmem>>[vector<16xi32>, vector<16xi32>], vector<16xf32>,
          %gather3A_268 = tpu.vector_load_idx %arg13[%broadcast_in_dim3A_267, %broadcast_in_dim3A_24] : memref<200x16xf32, #tpu.memory_space<vmem>>[vector<16xi32>, vector<16xi32>], vector<16xf32>,
          %gather3A_269 = tpu.vector_load_idx %arg13[%broadcast_in_dim3A_267, %broadcast_in_dim3A_31] : memref<200x16xf32, #tpu.memory_space<vmem>>[vector<16xi32>, vector<16xi32>], vector<16xf32>,
          %gather3A_270 = tpu.vector_load_idx %arg13[%broadcast_in_dim3A_267, %broadcast_in_dim3A_38] : memref<200x16xf32, #tpu.memory_space<vmem>>[vector<16xi32>, vector<16xi32>], vector<16xf32>,
          %get3A = arith.index_cast %add3A_242 : i32 to index
          %get3A_271 = arith.constant 0 : index
          %get3A_272 = tpu.vector_load %arg15[%get3A, %get3A_271] {strides = array<i32>} : memref<400x64xf32, #tpu.memory_space<vmem>>, vector<16xf32>,
          %mul3A_273 = arith.mulf %get3A_272, %gather3A : vector<16xf32>
          %swap3A = arith.index_cast %add3A_242 : i32 to index
          %swap3A_274 = arith.constant 0 : index
          %swap3A_275 = tpu.vector_load %arg15[%swap3A, %swap3A_274] {strides = array<i32>} : memref<400x64xf32, #tpu.memory_space<vmem>>, vector<16xf32>,
          tpu.vector_store %arg15[%swap3A, %swap3A_274], %mul3A_273 {strides = array<i32>} : memref<400x64xf32, #tpu.memory_space<vmem>>, vector<16xf32>,
          %get3A_276 = arith.index_cast %add3A_242 : i32 to index
          %get3A_277 = arith.constant 16 : index
          %get3A_278 = tpu.vector_load %arg15[%get3A_276, %get3A_277] {strides = array<i32>} : memref<400x64xf32, #tpu.memory_space<vmem>>, vector<16xf32>,
          %mul3A_279 = arith.mulf %get3A_278, %gather3A : vector<16xf32>
          %swap3A_280 = arith.index_cast %add3A_242 : i32 to index
          %swap3A_281 = arith.constant 16 : index
          %swap3A_282 = tpu.vector_load %arg15[%swap3A_280, %swap3A_281] {strides = array<i32>} : memref<400x64xf32, #tpu.memory_space<vmem>>, vector<16xf32>,
          tpu.vector_store %arg15[%swap3A_280, %swap3A_281], %mul3A_279 {strides = array<i32>} : memref<400x64xf32, #tpu.memory_space<vmem>>, vector<16xf32>,
          %get3A_283 = arith.index_cast %add3A_242 : i32 to index
          %get3A_284 = arith.constant 32 : index
          %get3A_285 = tpu.vector_load %arg15[%get3A_283, %get3A_284] {strides = array<i32>} : memref<400x64xf32, #tpu.memory_space<vmem>>, vector<16xf32>,
          %mul3A_286 = arith.mulf %get3A_285, %gather3A_268 : vector<16xf32>
          %swap3A_287 = arith.index_cast %add3A_242 : i32 to index
          %swap3A_288 = arith.constant 32 : index
          %swap3A_289 = tpu.vector_load %arg15[%swap3A_287, %swap3A_288] {strides = array<i32>} : memref<400x64xf32, #tpu.memory_space<vmem>>, vector<16xf32>,
          tpu.vector_store %arg15[%swap3A_287, %swap3A_288], %mul3A_286 {strides = array<i32>} : memref<400x64xf32, #tpu.memory_space<vmem>>, vector<16xf32>,
          %get3A_290 = arith.index_cast %add3A_242 : i32 to index
          %get3A_291 = arith.constant 48 : index
          %get3A_292 = tpu.vector_load %arg15[%get3A_290, %get3A_291] {strides = array<i32>} : memref<400x64xf32, #tpu.memory_space<vmem>>, vector<16xf32>,
          %mul3A_293 = arith.mulf %get3A_292, %gather3A_268 : vector<16xf32>
          %swap3A_294 = arith.index_cast %add3A_242 : i32 to index
          %swap3A_295 = arith.constant 48 : index
          %swap3A_296 = tpu.vector_load %arg15[%swap3A_294, %swap3A_295] {strides = array<i32>} : memref<400x64xf32, #tpu.memory_space<vmem>>, vector<16xf32>,
          tpu.vector_store %arg15[%swap3A_294, %swap3A_295], %mul3A_293 {strides = array<i32>} : memref<400x64xf32, #tpu.memory_space<vmem>>, vector<16xf32>,
          %add3A_297 = arith.constant 1 : i32
          %add3A_298 = arith.addi %add3A_242, %add3A_297 : i32
          %get3A_299 = arith.index_cast %add3A_298 : i32 to index
          %get3A_300 = arith.constant 0 : index
          %get3A_301 = tpu.vector_load %arg15[%get3A_299, %get3A_300] {strides = array<i32>} : memref<400x64xf32, #tpu.memory_space<vmem>>, vector<16xf32>,
          %mul3A_302 = arith.mulf %get3A_301, %gather3A_269 : vector<16xf32>
          %add3A_303 = arith.constant 1 : i32
          %add3A_304 = arith.addi %add3A_242, %add3A_303 : i32
          %swap3A_305 = arith.index_cast %add3A_304 : i32 to index
          %swap3A_306 = arith.constant 0 : index
          %swap3A_307 = tpu.vector_load %arg15[%swap3A_305, %swap3A_306] {strides = array<i32>} : memref<400x64xf32, #tpu.memory_space<vmem>>, vector<16xf32>,
          tpu.vector_store %arg15[%swap3A_305, %swap3A_306], %mul3A_302 {strides = array<i32>} : memref<400x64xf32, #tpu.memory_space<vmem>>, vector<16xf32>,
          %add3A_308 = arith.constant 1 : i32
          %add3A_309 = arith.addi %add3A_242, %add3A_308 : i32
          %get3A_310 = arith.index_cast %add3A_309 : i32 to index
          %get3A_311 = arith.constant 16 : index
          %get3A_312 = tpu.vector_load %arg15[%get3A_310, %get3A_311] {strides = array<i32>} : memref<400x64xf32, #tpu.memory_space<vmem>>, vector<16xf32>,
          %mul3A_313 = arith.mulf %get3A_312, %gather3A_269 : vector<16xf32>
          %add3A_314 = arith.constant 1 : i32
          %add3A_315 = arith.addi %add3A_242, %add3A_314 : i32
          %swap3A_316 = arith.index_cast %add3A_315 : i32 to index
          %swap3A_317 = arith.constant 16 : index
          %swap3A_318 = tpu.vector_load %arg15[%swap3A_316, %swap3A_317] {strides = array<i32>} : memref<400x64xf32, #tpu.memory_space<vmem>>, vector<16xf32>,
          tpu.vector_store %arg15[%swap3A_316, %swap3A_317], %mul3A_313 {strides = array<i32>} : memref<400x64xf32, #tpu.memory_space<vmem>>, vector<16xf32>,
          %add3A_319 = arith.constant 1 : i32
          %add3A_320 = arith.addi %add3A_242, %add3A_319 : i32
          %get3A_321 = arith.index_cast %add3A_320 : i32 to index
          %get3A_322 = arith.constant 32 : index
          %get3A_323 = tpu.vector_load %arg15[%get3A_321, %get3A_322] {strides = array<i32>} : memref<400x64xf32, #tpu.memory_space<vmem>>, vector<16xf32>,
          %mul3A_324 = arith.mulf %get3A_323, %gather3A_270 : vector<16xf32>
          %add3A_325 = arith.constant 1 : i32
          %add3A_326 = arith.addi %add3A_242, %add3A_325 : i32
          %swap3A_327 = arith.index_cast %add3A_326 : i32 to index
          %swap3A_328 = arith.constant 32 : index
          %swap3A_329 = tpu.vector_load %arg15[%swap3A_327, %swap3A_328] {strides = array<i32>} : memref<400x64xf32, #tpu.memory_space<vmem>>, vector<16xf32>,
          tpu.vector_store %arg15[%swap3A_327, %swap3A_328], %mul3A_324 {strides = array<i32>} : memref<400x64xf32, #tpu.memory_space<vmem>>, vector<16xf32>,
          %add3A_330 = arith.constant 1 : i32
          %add3A_331 = arith.addi %add3A_242, %add3A_330 : i32
          %get3A_332 = arith.index_cast %add3A_331 : i32 to index
          %get3A_333 = arith.constant 48 : index
          %get3A_334 = tpu.vector_load %arg15[%get3A_332, %get3A_333] {strides = array<i32>} : memref<400x64xf32, #tpu.memory_space<vmem>>, vector<16xf32>,
          %mul3A_335 = arith.mulf %get3A_334, %gather3A_270 : vector<16xf32>
          %add3A_336 = arith.constant 1 : i32
          %add3A_337 = arith.addi %add3A_242, %add3A_336 : i32
          %swap3A_338 = arith.index_cast %add3A_337 : i32 to index
          %swap3A_339 = arith.constant 48 : index
          %swap3A_340 = tpu.vector_load %arg15[%swap3A_338, %swap3A_339] {strides = array<i32>} : memref<400x64xf32, #tpu.memory_space<vmem>>, vector<16xf32>,
          tpu.vector_store %arg15[%swap3A_338, %swap3A_339], %mul3A_335 {strides = array<i32>} : memref<400x64xf32, #tpu.memory_space<vmem>>, vector<16xf32>,
        }
        %scan3A_234 = arith.constant 200 : i32
        %dma_start3A_235 = arith.constant 0 : i32
        %dma_start3A_236 = arith.constant 0 : i32
        %dma_start3A_237 = tpu.memref_slice %arg16[%dma_start3A_235, %dma_start3A_236] : memref<10240x64xf32, #tpu.memory_space<vmem_shared>> -> memref<10240x64xf32, #tpu.memory_space<vmem_shared>>
        tpu.enqueue_indirect_dma source(%arg15 : memref<400x64xf32, #tpu.memory_space<vmem>>) target(%dma_start3A_237 : memref<10240x64xf32, #tpu.memory_space<vmem_shared>>) offsets(%arg9 : memref<400xi32, #tpu.memory_space<vmem>>) semaphore(%arg22 : memref<!tpu.dma_semaphore, #tpu.memory_space<semaphore_mem>>) {add = true}
      }
      %scan3A_74 = arith.constant 12 : i32
      %dma_wait3A = arith.constant 0 : i32
      %dma_wait3A_75 = arith.constant 0 : i32
      %dma_wait3A_76 = tpu.memref_slice %arg5[%dma_wait3A, %dma_wait3A_75] : memref<40000x64xf32, #tpu.memory_space<hbm>> -> memref<40000x64xf32, #tpu.memory_space<hbm>>
      tpu.wait_indirect_dma semaphore(%arg17 : memref<!tpu.dma_semaphore, #tpu.memory_space<semaphore_mem>>) src(%dma_wait3A_76 : memref<40000x64xf32, #tpu.memory_space<hbm>>) dst(%arg14 : memref<400x64xf32, #tpu.memory_space<vmem>>)
      %dma_wait3A_77 = arith.constant 0 : i32
      %dma_wait3A_78 = arith.constant 0 : i32
      %dma_wait3A_79 = tpu.memref_slice %arg2[%dma_wait3A_77, %dma_wait3A_78] : memref<80000x16xf32, #tpu.memory_space<hbm>> -> memref<200x16xf32, #tpu.memory_space<hbm>>
      %dma_wait3A_80 = arith.constant 0 : i32
      %dma_wait3A_81 = arith.constant 0 : i32
      %dma_wait3A_82 = tpu.memref_slice %arg2[%dma_wait3A_80, %dma_wait3A_81] : memref<80000x16xf32, #tpu.memory_space<hbm>> -> memref<200x16xf32, #tpu.memory_space<hbm>>
      tpu.wait_dma2 semaphore(%arg19 : memref<!tpu.dma_semaphore, #tpu.memory_space<semaphore_mem>>) src(%dma_wait3A_82 : memref<200x16xf32, #tpu.memory_space<hbm>>) dst(%arg12 : memref<200x16xf32, #tpu.memory_space<vmem>>)
      %scan3A_83 = arith.constant 0 : i32
      %scan3A_84 = arith.constant 200 : i32
      %scan3A_85 = arith.addi %scan3A_83, %scan3A_84 : i32
      %scan3A_86 = arith.constant 1 : i32
      scf.for %scan3A_106 = %scan3A_83 to %scan3A_85 step %scan3A_86  : i32 {
        %mul3A_107 = arith.constant 2 : i32
        %mul3A_108 = arith.muli %scan3A_106, %mul3A_107 : i32
        %add3A_109 = arith.constant 0 : i32
        %add3A_110 = arith.addi %add3A_109, %mul3A_108 : i32
        %jit3A_111 = arith.constant 2 : i32
        %div3A_112 = arith.divsi %add3A_110, %jit3A_111 : i32
        %sign3A_113 = arith.constant 0 : i32
        %sign3A_114 = arith.cmpi sgt, %add3A_110, %sign3A_113 : i32
        %sign3A_115 = arith.extui %sign3A_114 : i1 to i32
        %sign3A_116 = arith.constant 0 : i32
        %sign3A_117 = arith.cmpi slt, %add3A_110, %sign3A_116 : i32
        %sign3A_118 = arith.extui %sign3A_117 : i1 to i32
        %sign3A_119 = arith.subi %sign3A_115, %sign3A_118 : i32
        %sign3A_120 = arith.constant 0 : i32
        %sign3A_121 = arith.cmpi sgt, %jit3A_111, %sign3A_120 : i32
        %sign3A_122 = arith.extui %sign3A_121 : i1 to i32
        %sign3A_123 = arith.constant 0 : i32
        %sign3A_124 = arith.cmpi slt, %jit3A_111, %sign3A_123 : i32
        %sign3A_125 = arith.extui %sign3A_124 : i1 to i32
        %sign3A_126 = arith.subi %sign3A_122, %sign3A_125 : i32
        %ne3A_127 = arith.cmpi ne, %sign3A_119, %sign3A_126 : i32
        %rem3A_128 = arith.remsi %add3A_110, %jit3A_111 : i32
        %ne3A_129 = arith.constant 0 : i32
        %ne3A_130 = arith.cmpi ne, %rem3A_128, %ne3A_129 : i32
        %and3A_131 = arith.andi %ne3A_127, %ne3A_130 : i1
        %sub3A_132 = arith.constant 1 : i32
        %sub3A_133 = arith.subi %div3A_112, %sub3A_132 : i32
        %select_n3A_134 = arith.select %and3A_131, %sub3A_133, %div3A_112 : i32
        %broadcast_in_dim3A_135 = vector.broadcast %select_n3A_134 : i32 to vector<16xi32>
        %gather3A = tpu.vector_load_idx %arg12[%broadcast_in_dim3A_135, %broadcast_in_dim3A] : memref<200x16xf32, #tpu.memory_space<vmem>>[vector<16xi32>, vector<16xi32>], vector<16xf32>,
        %gather3A_136 = tpu.vector_load_idx %arg12[%broadcast_in_dim3A_135, %broadcast_in_dim3A_24] : memref<200x16xf32, #tpu.memory_space<vmem>>[vector<16xi32>, vector<16xi32>], vector<16xf32>,
        %gather3A_137 = tpu.vector_load_idx %arg12[%broadcast_in_dim3A_135, %broadcast_in_dim3A_31] : memref<200x16xf32, #tpu.memory_space<vmem>>[vector<16xi32>, vector<16xi32>], vector<16xf32>,
        %gather3A_138 = tpu.vector_load_idx %arg12[%broadcast_in_dim3A_135, %broadcast_in_dim3A_38] : memref<200x16xf32, #tpu.memory_space<vmem>>[vector<16xi32>, vector<16xi32>], vector<16xf32>,
        %get3A = arith.index_cast %add3A_110 : i32 to index
        %get3A_139 = arith.constant 0 : index
        %get3A_140 = tpu.vector_load %arg14[%get3A, %get3A_139] {strides = array<i32>} : memref<400x64xf32, #tpu.memory_space<vmem>>, vector<16xf32>,
        %mul3A_141 = arith.mulf %get3A_140, %gather3A : vector<16xf32>
        %swap3A = arith.index_cast %add3A_110 : i32 to index
        %swap3A_142 = arith.constant 0 : index
        %swap3A_143 = tpu.vector_load %arg14[%swap3A, %swap3A_142] {strides = array<i32>} : memref<400x64xf32, #tpu.memory_space<vmem>>, vector<16xf32>,
        tpu.vector_store %arg14[%swap3A, %swap3A_142], %mul3A_141 {strides = array<i32>} : memref<400x64xf32, #tpu.memory_space<vmem>>, vector<16xf32>,
        %get3A_144 = arith.index_cast %add3A_110 : i32 to index
        %get3A_145 = arith.constant 16 : index
        %get3A_146 = tpu.vector_load %arg14[%get3A_144, %get3A_145] {strides = array<i32>} : memref<400x64xf32, #tpu.memory_space<vmem>>, vector<16xf32>,
        %mul3A_147 = arith.mulf %get3A_146, %gather3A : vector<16xf32>
        %swap3A_148 = arith.index_cast %add3A_110 : i32 to index
        %swap3A_149 = arith.constant 16 : index
        %swap3A_150 = tpu.vector_load %arg14[%swap3A_148, %swap3A_149] {strides = array<i32>} : memref<400x64xf32, #tpu.memory_space<vmem>>, vector<16xf32>,
        tpu.vector_store %arg14[%swap3A_148, %swap3A_149], %mul3A_147 {strides = array<i32>} : memref<400x64xf32, #tpu.memory_space<vmem>>, vector<16xf32>,
        %get3A_151 = arith.index_cast %add3A_110 : i32 to index
        %get3A_152 = arith.constant 32 : index
        %get3A_153 = tpu.vector_load %arg14[%get3A_151, %get3A_152] {strides = array<i32>} : memref<400x64xf32, #tpu.memory_space<vmem>>, vector<16xf32>,
        %mul3A_154 = arith.mulf %get3A_153, %gather3A_136 : vector<16xf32>
        %swap3A_155 = arith.index_cast %add3A_110 : i32 to index
        %swap3A_156 = arith.constant 32 : index
        %swap3A_157 = tpu.vector_load %arg14[%swap3A_155, %swap3A_156] {strides = array<i32>} : memref<400x64xf32, #tpu.memory_space<vmem>>, vector<16xf32>,
        tpu.vector_store %arg14[%swap3A_155, %swap3A_156], %mul3A_154 {strides = array<i32>} : memref<400x64xf32, #tpu.memory_space<vmem>>, vector<16xf32>,
        %get3A_158 = arith.index_cast %add3A_110 : i32 to index
        %get3A_159 = arith.constant 48 : index
        %get3A_160 = tpu.vector_load %arg14[%get3A_158, %get3A_159] {strides = array<i32>} : memref<400x64xf32, #tpu.memory_space<vmem>>, vector<16xf32>,
        %mul3A_161 = arith.mulf %get3A_160, %gather3A_136 : vector<16xf32>
        %swap3A_162 = arith.index_cast %add3A_110 : i32 to index
        %swap3A_163 = arith.constant 48 : index
        %swap3A_164 = tpu.vector_load %arg14[%swap3A_162, %swap3A_163] {strides = array<i32>} : memref<400x64xf32, #tpu.memory_space<vmem>>, vector<16xf32>,
        tpu.vector_store %arg14[%swap3A_162, %swap3A_163], %mul3A_161 {strides = array<i32>} : memref<400x64xf32, #tpu.memory_space<vmem>>, vector<16xf32>,
        %add3A_165 = arith.constant 1 : i32
        %add3A_166 = arith.addi %add3A_110, %add3A_165 : i32
        %get3A_167 = arith.index_cast %add3A_166 : i32 to index
        %get3A_168 = arith.constant 0 : index
        %get3A_169 = tpu.vector_load %arg14[%get3A_167, %get3A_168] {strides = array<i32>} : memref<400x64xf32, #tpu.memory_space<vmem>>, vector<16xf32>,
        %mul3A_170 = arith.mulf %get3A_169, %gather3A_137 : vector<16xf32>
        %add3A_171 = arith.constant 1 : i32
        %add3A_172 = arith.addi %add3A_110, %add3A_171 : i32
        %swap3A_173 = arith.index_cast %add3A_172 : i32 to index
        %swap3A_174 = arith.constant 0 : index
        %swap3A_175 = tpu.vector_load %arg14[%swap3A_173, %swap3A_174] {strides = array<i32>} : memref<400x64xf32, #tpu.memory_space<vmem>>, vector<16xf32>,
        tpu.vector_store %arg14[%swap3A_173, %swap3A_174], %mul3A_170 {strides = array<i32>} : memref<400x64xf32, #tpu.memory_space<vmem>>, vector<16xf32>,
        %add3A_176 = arith.constant 1 : i32
        %add3A_177 = arith.addi %add3A_110, %add3A_176 : i32
        %get3A_178 = arith.index_cast %add3A_177 : i32 to index
        %get3A_179 = arith.constant 16 : index
        %get3A_180 = tpu.vector_load %arg14[%get3A_178, %get3A_179] {strides = array<i32>} : memref<400x64xf32, #tpu.memory_space<vmem>>, vector<16xf32>,
        %mul3A_181 = arith.mulf %get3A_180, %gather3A_137 : vector<16xf32>
        %add3A_182 = arith.constant 1 : i32
        %add3A_183 = arith.addi %add3A_110, %add3A_182 : i32
        %swap3A_184 = arith.index_cast %add3A_183 : i32 to index
        %swap3A_185 = arith.constant 16 : index
        %swap3A_186 = tpu.vector_load %arg14[%swap3A_184, %swap3A_185] {strides = array<i32>} : memref<400x64xf32, #tpu.memory_space<vmem>>, vector<16xf32>,
        tpu.vector_store %arg14[%swap3A_184, %swap3A_185], %mul3A_181 {strides = array<i32>} : memref<400x64xf32, #tpu.memory_space<vmem>>, vector<16xf32>,
        %add3A_187 = arith.constant 1 : i32
        %add3A_188 = arith.addi %add3A_110, %add3A_187 : i32
        %get3A_189 = arith.index_cast %add3A_188 : i32 to index
        %get3A_190 = arith.constant 32 : index
        %get3A_191 = tpu.vector_load %arg14[%get3A_189, %get3A_190] {strides = array<i32>} : memref<400x64xf32, #tpu.memory_space<vmem>>, vector<16xf32>,
        %mul3A_192 = arith.mulf %get3A_191, %gather3A_138 : vector<16xf32>
        %add3A_193 = arith.constant 1 : i32
        %add3A_194 = arith.addi %add3A_110, %add3A_193 : i32
        %swap3A_195 = arith.index_cast %add3A_194 : i32 to index
        %swap3A_196 = arith.constant 32 : index
        %swap3A_197 = tpu.vector_load %arg14[%swap3A_195, %swap3A_196] {strides = array<i32>} : memref<400x64xf32, #tpu.memory_space<vmem>>, vector<16xf32>,
        tpu.vector_store %arg14[%swap3A_195, %swap3A_196], %mul3A_192 {strides = array<i32>} : memref<400x64xf32, #tpu.memory_space<vmem>>, vector<16xf32>,
        %add3A_198 = arith.constant 1 : i32
        %add3A_199 = arith.addi %add3A_110, %add3A_198 : i32
        %get3A_200 = arith.index_cast %add3A_199 : i32 to index
        %get3A_201 = arith.constant 48 : index
        %get3A_202 = tpu.vector_load %arg14[%get3A_200, %get3A_201] {strides = array<i32>} : memref<400x64xf32, #tpu.memory_space<vmem>>, vector<16xf32>,
        %mul3A_203 = arith.mulf %get3A_202, %gather3A_138 : vector<16xf32>
        %add3A_204 = arith.constant 1 : i32
        %add3A_205 = arith.addi %add3A_110, %add3A_204 : i32
        %swap3A_206 = arith.index_cast %add3A_205 : i32 to index
        %swap3A_207 = arith.constant 48 : index
        %swap3A_208 = tpu.vector_load %arg14[%swap3A_206, %swap3A_207] {strides = array<i32>} : memref<400x64xf32, #tpu.memory_space<vmem>>, vector<16xf32>,
        tpu.vector_store %arg14[%swap3A_206, %swap3A_207], %mul3A_203 {strides = array<i32>} : memref<400x64xf32, #tpu.memory_space<vmem>>, vector<16xf32>,
      }
      %scan3A_87 = arith.constant 200 : i32
      %dma_start3A_88 = arith.constant 0 : i32
      %dma_start3A_89 = arith.constant 0 : i32
      %dma_start3A_90 = tpu.memref_slice %arg16[%dma_start3A_88, %dma_start3A_89] : memref<10240x64xf32, #tpu.memory_space<vmem_shared>> -> memref<10240x64xf32, #tpu.memory_space<vmem_shared>>
      tpu.enqueue_indirect_dma source(%arg14 : memref<400x64xf32, #tpu.memory_space<vmem>>) target(%dma_start3A_90 : memref<10240x64xf32, #tpu.memory_space<vmem_shared>>) offsets(%arg8 : memref<400xi32, #tpu.memory_space<vmem>>) semaphore(%arg21 : memref<!tpu.dma_semaphore, #tpu.memory_space<semaphore_mem>>) {add = true}
      %dma_wait3A_91 = arith.constant 0 : i32
      %dma_wait3A_92 = arith.constant 0 : i32
      %dma_wait3A_93 = tpu.memref_slice %arg16[%dma_wait3A_91, %dma_wait3A_92] : memref<10240x64xf32, #tpu.memory_space<vmem_shared>> -> memref<10240x64xf32, #tpu.memory_space<vmem_shared>>
      tpu.wait_indirect_dma semaphore(%arg22 : memref<!tpu.dma_semaphore, #tpu.memory_space<semaphore_mem>>) src(%arg15 : memref<400x64xf32, #tpu.memory_space<vmem>>) dst(%dma_wait3A_93 : memref<10240x64xf32, #tpu.memory_space<vmem_shared>>)
      %dma_wait3A_94 = arith.constant 0 : i32
      %dma_wait3A_95 = arith.constant 0 : i32
      %dma_wait3A_96 = tpu.memref_slice %arg16[%dma_wait3A_94, %dma_wait3A_95] : memref<10240x64xf32, #tpu.memory_space<vmem_shared>> -> memref<10240x64xf32, #tpu.memory_space<vmem_shared>>
      tpu.wait_indirect_dma semaphore(%arg21 : memref<!tpu.dma_semaphore, #tpu.memory_space<semaphore_mem>>) src(%arg14 : memref<400x64xf32, #tpu.memory_space<vmem>>) dst(%dma_wait3A_96 : memref<10240x64xf32, #tpu.memory_space<vmem_shared>>)
      %barrier3A_97 = arith.constant 0 : index
      tpu.barrier barrier_id(%barrier3A_97)
      %mul3A_98 = arith.constant 640 : i32
      %mul3A_99 = arith.muli %arg1, %mul3A_98 : i32
      %mul3A_100 = arith.constant 10240 : i32
      %mul3A_101 = arith.muli %add3A_9, %mul3A_100 : i32
      %mul3A_102 = arith.constant 640 : i32
      %mul3A_103 = arith.muli %arg1, %mul3A_102 : i32
      %add3A_104 = arith.addi %mul3A_101, %mul3A_103 : i32
      "tpu.region"() ({
        %run_scoped3A = tpu.sem_alloc : memref<!tpu.dma_semaphore, #tpu.memory_space<semaphore_mem>>
        %dma_start3A_106 = arith.constant 0 : i32
        %dma_start3A_107 = tpu.memref_slice %arg7[%add3A_104, %dma_start3A_106] : memref<40960x64xf32, #tpu.memory_space<hbm>> -> memref<640x64xf32, #tpu.memory_space<hbm>>
        %dma_start3A_108 = arith.constant 0 : i32
        %dma_start3A_109 = tpu.memref_slice %arg16[%mul3A_99, %dma_start3A_108] : memref<10240x64xf32, #tpu.memory_space<vmem_shared>> -> memref<640x64xf32, #tpu.memory_space<vmem_shared>>
        tpu.enqueue_dma source(%dma_start3A_109 : memref<640x64xf32, #tpu.memory_space<vmem_shared>>) target(%dma_start3A_107 : memref<640x64xf32, #tpu.memory_space<hbm>>) target_semaphore(%run_scoped3A : memref<!tpu.dma_semaphore, #tpu.memory_space<semaphore_mem>>)
        %dma_wait3A_110 = arith.constant 0 : i32
        %dma_wait3A_111 = tpu.memref_slice %arg7[%add3A_104, %dma_wait3A_110] : memref<40960x64xf32, #tpu.memory_space<hbm>> -> memref<640x64xf32, #tpu.memory_space<hbm>>
        %dma_wait3A_112 = arith.constant 0 : i32
        %dma_wait3A_113 = tpu.memref_slice %arg16[%mul3A_99, %dma_wait3A_112] : memref<10240x64xf32, #tpu.memory_space<vmem_shared>> -> memref<640x64xf32, #tpu.memory_space<vmem_shared>>
        tpu.wait_dma2 semaphore(%run_scoped3A : memref<!tpu.dma_semaphore, #tpu.memory_space<semaphore_mem>>) src(%dma_wait3A_113 : memref<640x64xf32, #tpu.memory_space<vmem_shared>>) dst(%dma_wait3A_111 : memref<640x64xf32, #tpu.memory_space<hbm>>)
        tpu.yield
      }) : () -> ()
      %barrier3A_105 = arith.constant 0 : index
      tpu.barrier barrier_id(%barrier3A_105)
    }
    %scan3A_3 = arith.constant 2 : i32
    return
  }
}

#map = affine_map<(d0, d1) -> (0, 0)>
#map1 = affine_map<(d0, d1) -> (0)>
module attributes {stable_mosaic.version = 14 : i64} {
  func.func @k(%arg0: i32, %arg1: i32, %arg2: memref<10240x16xf32, #tpu.memory_space<hbm>>, %arg3: memref<10240x16xf32, #tpu.memory_space<hbm>>, %arg4: memref<8x16xf32, #tpu.memory_space<hbm>>, %arg5: memref<160000xi32, #tpu.memory_space<hbm>>, %arg6: memref<160000xi32, #tpu.memory_space<hbm>>, %arg7: memref<160000xi32, #tpu.memory_space<hbm>>, %arg8: memref<10240x16xf32, #tpu.memory_space<hbm>>, %arg9: memref<160000x16xf32, #tpu.memory_space<hbm>>, %arg10: memref<20480x16xf32, #tpu.memory_space<hbm>>, %arg11: memref<1000xi32, #tpu.memory_space<vmem>>, %arg12: memref<1000xi32, #tpu.memory_space<vmem>>, %arg13: memref<1000xi32, #tpu.memory_space<vmem>>, %arg14: memref<1000x16xf32, #tpu.memory_space<vmem>>, %arg15: memref<1000x16xf32, #tpu.memory_space<vmem>>, %arg16: memref<1000x16xf32, #tpu.memory_space<vmem>>, %arg17: memref<1000x16xf32, #tpu.memory_space<vmem>>, %arg18: memref<10240x16xf32, #tpu.memory_space<vmem_shared>>, %arg19: memref<10240x16xf32, #tpu.memory_space<vmem_shared>>, %arg20: memref<10240x16xf32, #tpu.memory_space<vmem_shared>>, %arg21: memref<8x16xf32, #tpu.memory_space<vmem_shared>>, %arg22: memref<!tpu.dma_semaphore, #tpu.memory_space<semaphore_mem>>, %arg23: memref<!tpu.dma_semaphore, #tpu.memory_space<semaphore_mem>>) attributes {dimension_semantics = [#tpu.dimension_semantics<core_parallel>, #tpu.dimension_semantics<subcore_parallel>], iteration_bounds = array<i64: 2, 16>, scalar_prefetch = 0 : i64, scratch_operands = 13 : i64, tpu.core_type = #tpu.core_type<sc_vector_subcore>, window_params = [{transform_indices = #map}, {transform_indices = #map}, {transform_indices = #map}, {transform_indices = #map1}, {transform_indices = #map1}, {transform_indices = #map1}, {transform_indices = #map}, {transform_indices = #map}, {transform_indices = #map}]} {
    %mul3A = arith.constant 16 : i32
    %mul3A_0 = arith.muli %arg0, %mul3A : i32
    %add3A = arith.addi %mul3A_0, %arg1 : i32
    %mul3A_1 = arith.constant 640 : i32
    %mul3A_2 = arith.muli %arg1, %mul3A_1 : i32
    %mul3A_3 = arith.constant 640 : i32
    %mul3A_4 = arith.muli %arg1, %mul3A_3 : i32
    "tpu.region"() ({
      %run_scoped3A = tpu.sem_alloc : memref<!tpu.dma_semaphore, #tpu.memory_space<semaphore_mem>>
      %dma_start3A = arith.constant 0 : i32
      %dma_start3A_25 = tpu.memref_slice %arg18[%mul3A_4, %dma_start3A] : memref<10240x16xf32, #tpu.memory_space<vmem_shared>> -> memref<640x16xf32, #tpu.memory_space<vmem_shared>>
      %dma_start3A_26 = arith.constant 0 : i32
      %dma_start3A_27 = tpu.memref_slice %arg8[%mul3A_2, %dma_start3A_26] : memref<10240x16xf32, #tpu.memory_space<hbm>> -> memref<640x16xf32, #tpu.memory_space<hbm>>
      tpu.enqueue_dma source(%dma_start3A_27 : memref<640x16xf32, #tpu.memory_space<hbm>>) target(%dma_start3A_25 : memref<640x16xf32, #tpu.memory_space<vmem_shared>>) target_semaphore(%run_scoped3A : memref<!tpu.dma_semaphore, #tpu.memory_space<semaphore_mem>>)
      %dma_wait3A = arith.constant 0 : i32
      %dma_wait3A_28 = tpu.memref_slice %arg18[%mul3A_4, %dma_wait3A] : memref<10240x16xf32, #tpu.memory_space<vmem_shared>> -> memref<640x16xf32, #tpu.memory_space<vmem_shared>>
      %dma_wait3A_29 = arith.constant 0 : i32
      %dma_wait3A_30 = tpu.memref_slice %arg8[%mul3A_2, %dma_wait3A_29] : memref<10240x16xf32, #tpu.memory_space<hbm>> -> memref<640x16xf32, #tpu.memory_space<hbm>>
      tpu.wait_dma2 semaphore(%run_scoped3A : memref<!tpu.dma_semaphore, #tpu.memory_space<semaphore_mem>>) src(%dma_wait3A_30 : memref<640x16xf32, #tpu.memory_space<hbm>>) dst(%dma_wait3A_28 : memref<640x16xf32, #tpu.memory_space<vmem_shared>>)
      tpu.yield
    }) : () -> ()
    %mul3A_5 = arith.constant 640 : i32
    %mul3A_6 = arith.muli %arg1, %mul3A_5 : i32
    %mul3A_7 = arith.constant 640 : i32
    %mul3A_8 = arith.muli %arg1, %mul3A_7 : i32
    "tpu.region"() ({
      %run_scoped3A = tpu.sem_alloc : memref<!tpu.dma_semaphore, #tpu.memory_space<semaphore_mem>>
      %dma_start3A = arith.constant 0 : i32
      %dma_start3A_25 = tpu.memref_slice %arg19[%mul3A_8, %dma_start3A] : memref<10240x16xf32, #tpu.memory_space<vmem_shared>> -> memref<640x16xf32, #tpu.memory_space<vmem_shared>>
      %dma_start3A_26 = arith.constant 0 : i32
      %dma_start3A_27 = tpu.memref_slice %arg2[%mul3A_6, %dma_start3A_26] : memref<10240x16xf32, #tpu.memory_space<hbm>> -> memref<640x16xf32, #tpu.memory_space<hbm>>
      tpu.enqueue_dma source(%dma_start3A_27 : memref<640x16xf32, #tpu.memory_space<hbm>>) target(%dma_start3A_25 : memref<640x16xf32, #tpu.memory_space<vmem_shared>>) target_semaphore(%run_scoped3A : memref<!tpu.dma_semaphore, #tpu.memory_space<semaphore_mem>>)
      %dma_wait3A = arith.constant 0 : i32
      %dma_wait3A_28 = tpu.memref_slice %arg19[%mul3A_8, %dma_wait3A] : memref<10240x16xf32, #tpu.memory_space<vmem_shared>> -> memref<640x16xf32, #tpu.memory_space<vmem_shared>>
      %dma_wait3A_29 = arith.constant 0 : i32
      %dma_wait3A_30 = tpu.memref_slice %arg2[%mul3A_6, %dma_wait3A_29] : memref<10240x16xf32, #tpu.memory_space<hbm>> -> memref<640x16xf32, #tpu.memory_space<hbm>>
      tpu.wait_dma2 semaphore(%run_scoped3A : memref<!tpu.dma_semaphore, #tpu.memory_space<semaphore_mem>>) src(%dma_wait3A_30 : memref<640x16xf32, #tpu.memory_space<hbm>>) dst(%dma_wait3A_28 : memref<640x16xf32, #tpu.memory_space<vmem_shared>>)
      tpu.yield
    }) : () -> ()
    %mul3A_9 = arith.constant 640 : i32
    %mul3A_10 = arith.muli %arg1, %mul3A_9 : i32
    %mul3A_11 = arith.constant 640 : i32
    %mul3A_12 = arith.muli %arg1, %mul3A_11 : i32
    "tpu.region"() ({
      %run_scoped3A = tpu.sem_alloc : memref<!tpu.dma_semaphore, #tpu.memory_space<semaphore_mem>>
      %dma_start3A = arith.constant 0 : i32
      %dma_start3A_25 = tpu.memref_slice %arg20[%mul3A_12, %dma_start3A] : memref<10240x16xf32, #tpu.memory_space<vmem_shared>> -> memref<640x16xf32, #tpu.memory_space<vmem_shared>>
      %dma_start3A_26 = arith.constant 0 : i32
      %dma_start3A_27 = tpu.memref_slice %arg3[%mul3A_10, %dma_start3A_26] : memref<10240x16xf32, #tpu.memory_space<hbm>> -> memref<640x16xf32, #tpu.memory_space<hbm>>
      tpu.enqueue_dma source(%dma_start3A_27 : memref<640x16xf32, #tpu.memory_space<hbm>>) target(%dma_start3A_25 : memref<640x16xf32, #tpu.memory_space<vmem_shared>>) target_semaphore(%run_scoped3A : memref<!tpu.dma_semaphore, #tpu.memory_space<semaphore_mem>>)
      %dma_wait3A = arith.constant 0 : i32
      %dma_wait3A_28 = tpu.memref_slice %arg20[%mul3A_12, %dma_wait3A] : memref<10240x16xf32, #tpu.memory_space<vmem_shared>> -> memref<640x16xf32, #tpu.memory_space<vmem_shared>>
      %dma_wait3A_29 = arith.constant 0 : i32
      %dma_wait3A_30 = tpu.memref_slice %arg3[%mul3A_10, %dma_wait3A_29] : memref<10240x16xf32, #tpu.memory_space<hbm>> -> memref<640x16xf32, #tpu.memory_space<hbm>>
      tpu.wait_dma2 semaphore(%run_scoped3A : memref<!tpu.dma_semaphore, #tpu.memory_space<semaphore_mem>>) src(%dma_wait3A_30 : memref<640x16xf32, #tpu.memory_space<hbm>>) dst(%dma_wait3A_28 : memref<640x16xf32, #tpu.memory_space<vmem_shared>>)
      tpu.yield
    }) : () -> ()
    "tpu.region"() ({
      %run_scoped3A = tpu.sem_alloc : memref<!tpu.dma_semaphore, #tpu.memory_space<semaphore_mem>>
      tpu.enqueue_dma source(%arg4 : memref<8x16xf32, #tpu.memory_space<hbm>>) target(%arg21 : memref<8x16xf32, #tpu.memory_space<vmem_shared>>) target_semaphore(%run_scoped3A : memref<!tpu.dma_semaphore, #tpu.memory_space<semaphore_mem>>)
      tpu.wait_dma2 semaphore(%run_scoped3A : memref<!tpu.dma_semaphore, #tpu.memory_space<semaphore_mem>>) src(%arg4 : memref<8x16xf32, #tpu.memory_space<hbm>>) dst(%arg21 : memref<8x16xf32, #tpu.memory_space<vmem_shared>>)
      tpu.yield
    }) : () -> ()
    %barrier3A = arith.constant 0 : index
    tpu.barrier barrier_id(%barrier3A)
    %scan3A = arith.constant 0 : i32
    %scan3A_13 = arith.constant 5 : i32
    %scan3A_14 = arith.addi %scan3A, %scan3A_13 : i32
    %scan3A_15 = arith.constant 1 : i32
    scf.for %scan3A_25 = %scan3A to %scan3A_14 step %scan3A_15  : i32 {
      %mul3A_26 = arith.constant 1 : i32
      %mul3A_27 = arith.muli %scan3A_25, %mul3A_26 : i32
      %add3A_28 = arith.constant 0 : i32
      %add3A_29 = arith.addi %add3A_28, %mul3A_27 : i32
      %mul3A_30 = arith.constant 5000 : i32
      %mul3A_31 = arith.muli %add3A, %mul3A_30 : i32
      %mul3A_32 = arith.constant 1000 : i32
      %mul3A_33 = arith.muli %add3A_29, %mul3A_32 : i32
      %add3A_34 = arith.addi %mul3A_31, %mul3A_33 : i32
      %dma_start3A = tpu.memref_slice %arg5[%add3A_34] : memref<160000xi32, #tpu.memory_space<hbm>> -> memref<1000xi32, #tpu.memory_space<hbm>>
      %dma_start3A_35 = tpu.memref_slice %arg5[%add3A_34] : memref<160000xi32, #tpu.memory_space<hbm>> -> memref<1000xi32, #tpu.memory_space<hbm>>
      tpu.enqueue_dma source(%dma_start3A_35 : memref<1000xi32, #tpu.memory_space<hbm>>) target(%arg11 : memref<1000xi32, #tpu.memory_space<vmem>>) target_semaphore(%arg23 : memref<!tpu.dma_semaphore, #tpu.memory_space<semaphore_mem>>)
      %dma_start3A_36 = tpu.memref_slice %arg6[%add3A_34] : memref<160000xi32, #tpu.memory_space<hbm>> -> memref<1000xi32, #tpu.memory_space<hbm>>
      %dma_start3A_37 = tpu.memref_slice %arg6[%add3A_34] : memref<160000xi32, #tpu.memory_space<hbm>> -> memref<1000xi32, #tpu.memory_space<hbm>>
      tpu.enqueue_dma source(%dma_start3A_37 : memref<1000xi32, #tpu.memory_space<hbm>>) target(%arg12 : memref<1000xi32, #tpu.memory_space<vmem>>) target_semaphore(%arg23 : memref<!tpu.dma_semaphore, #tpu.memory_space<semaphore_mem>>)
      %dma_start3A_38 = tpu.memref_slice %arg7[%add3A_34] : memref<160000xi32, #tpu.memory_space<hbm>> -> memref<1000xi32, #tpu.memory_space<hbm>>
      %dma_start3A_39 = tpu.memref_slice %arg7[%add3A_34] : memref<160000xi32, #tpu.memory_space<hbm>> -> memref<1000xi32, #tpu.memory_space<hbm>>
      tpu.enqueue_dma source(%dma_start3A_39 : memref<1000xi32, #tpu.memory_space<hbm>>) target(%arg13 : memref<1000xi32, #tpu.memory_space<vmem>>) target_semaphore(%arg23 : memref<!tpu.dma_semaphore, #tpu.memory_space<semaphore_mem>>)
      %dma_wait3A = tpu.memref_slice %arg5[%add3A_34] : memref<160000xi32, #tpu.memory_space<hbm>> -> memref<1000xi32, #tpu.memory_space<hbm>>
      %dma_wait3A_40 = tpu.memref_slice %arg5[%add3A_34] : memref<160000xi32, #tpu.memory_space<hbm>> -> memref<1000xi32, #tpu.memory_space<hbm>>
      tpu.wait_dma2 semaphore(%arg23 : memref<!tpu.dma_semaphore, #tpu.memory_space<semaphore_mem>>) src(%dma_wait3A_40 : memref<1000xi32, #tpu.memory_space<hbm>>) dst(%arg11 : memref<1000xi32, #tpu.memory_space<vmem>>)
      %dma_wait3A_41 = tpu.memref_slice %arg6[%add3A_34] : memref<160000xi32, #tpu.memory_space<hbm>> -> memref<1000xi32, #tpu.memory_space<hbm>>
      %dma_wait3A_42 = tpu.memref_slice %arg6[%add3A_34] : memref<160000xi32, #tpu.memory_space<hbm>> -> memref<1000xi32, #tpu.memory_space<hbm>>
      tpu.wait_dma2 semaphore(%arg23 : memref<!tpu.dma_semaphore, #tpu.memory_space<semaphore_mem>>) src(%dma_wait3A_42 : memref<1000xi32, #tpu.memory_space<hbm>>) dst(%arg12 : memref<1000xi32, #tpu.memory_space<vmem>>)
      %dma_wait3A_43 = tpu.memref_slice %arg7[%add3A_34] : memref<160000xi32, #tpu.memory_space<hbm>> -> memref<1000xi32, #tpu.memory_space<hbm>>
      %dma_wait3A_44 = tpu.memref_slice %arg7[%add3A_34] : memref<160000xi32, #tpu.memory_space<hbm>> -> memref<1000xi32, #tpu.memory_space<hbm>>
      tpu.wait_dma2 semaphore(%arg23 : memref<!tpu.dma_semaphore, #tpu.memory_space<semaphore_mem>>) src(%dma_wait3A_44 : memref<1000xi32, #tpu.memory_space<hbm>>) dst(%arg13 : memref<1000xi32, #tpu.memory_space<vmem>>)
      %dma_start3A_45 = arith.constant 0 : i32
      %dma_start3A_46 = arith.constant 0 : i32
      %dma_start3A_47 = tpu.memref_slice %arg19[%dma_start3A_45, %dma_start3A_46] : memref<10240x16xf32, #tpu.memory_space<vmem_shared>> -> memref<10240x16xf32, #tpu.memory_space<vmem_shared>>
      tpu.enqueue_indirect_dma source(%dma_start3A_47 : memref<10240x16xf32, #tpu.memory_space<vmem_shared>>) target(%arg14 : memref<1000x16xf32, #tpu.memory_space<vmem>>) offsets(%arg11 : memref<1000xi32, #tpu.memory_space<vmem>>) semaphore(%arg22 : memref<!tpu.dma_semaphore, #tpu.memory_space<semaphore_mem>>)
      %dma_start3A_48 = arith.constant 0 : i32
      %dma_start3A_49 = arith.constant 0 : i32
      %dma_start3A_50 = tpu.memref_slice %arg20[%dma_start3A_48, %dma_start3A_49] : memref<10240x16xf32, #tpu.memory_space<vmem_shared>> -> memref<10240x16xf32, #tpu.memory_space<vmem_shared>>
      tpu.enqueue_indirect_dma source(%dma_start3A_50 : memref<10240x16xf32, #tpu.memory_space<vmem_shared>>) target(%arg15 : memref<1000x16xf32, #tpu.memory_space<vmem>>) offsets(%arg12 : memref<1000xi32, #tpu.memory_space<vmem>>) semaphore(%arg22 : memref<!tpu.dma_semaphore, #tpu.memory_space<semaphore_mem>>)
      %dma_start3A_51 = arith.constant 0 : i32
      %dma_start3A_52 = arith.constant 0 : i32
      %dma_start3A_53 = tpu.memref_slice %arg21[%dma_start3A_51, %dma_start3A_52] : memref<8x16xf32, #tpu.memory_space<vmem_shared>> -> memref<8x16xf32, #tpu.memory_space<vmem_shared>>
      tpu.enqueue_indirect_dma source(%dma_start3A_53 : memref<8x16xf32, #tpu.memory_space<vmem_shared>>) target(%arg16 : memref<1000x16xf32, #tpu.memory_space<vmem>>) offsets(%arg13 : memref<1000xi32, #tpu.memory_space<vmem>>) semaphore(%arg22 : memref<!tpu.dma_semaphore, #tpu.memory_space<semaphore_mem>>)
      %dma_wait3A_54 = arith.constant 0 : i32
      %dma_wait3A_55 = arith.constant 0 : i32
      %dma_wait3A_56 = tpu.memref_slice %arg19[%dma_wait3A_54, %dma_wait3A_55] : memref<10240x16xf32, #tpu.memory_space<vmem_shared>> -> memref<10240x16xf32, #tpu.memory_space<vmem_shared>>
      tpu.wait_indirect_dma semaphore(%arg22 : memref<!tpu.dma_semaphore, #tpu.memory_space<semaphore_mem>>) src(%dma_wait3A_56 : memref<10240x16xf32, #tpu.memory_space<vmem_shared>>) dst(%arg14 : memref<1000x16xf32, #tpu.memory_space<vmem>>)
      %dma_wait3A_57 = arith.constant 0 : i32
      %dma_wait3A_58 = arith.constant 0 : i32
      %dma_wait3A_59 = tpu.memref_slice %arg20[%dma_wait3A_57, %dma_wait3A_58] : memref<10240x16xf32, #tpu.memory_space<vmem_shared>> -> memref<10240x16xf32, #tpu.memory_space<vmem_shared>>
      tpu.wait_indirect_dma semaphore(%arg22 : memref<!tpu.dma_semaphore, #tpu.memory_space<semaphore_mem>>) src(%dma_wait3A_59 : memref<10240x16xf32, #tpu.memory_space<vmem_shared>>) dst(%arg15 : memref<1000x16xf32, #tpu.memory_space<vmem>>)
      %dma_wait3A_60 = arith.constant 0 : i32
      %dma_wait3A_61 = arith.constant 0 : i32
      %dma_wait3A_62 = tpu.memref_slice %arg21[%dma_wait3A_60, %dma_wait3A_61] : memref<8x16xf32, #tpu.memory_space<vmem_shared>> -> memref<8x16xf32, #tpu.memory_space<vmem_shared>>
      tpu.wait_indirect_dma semaphore(%arg22 : memref<!tpu.dma_semaphore, #tpu.memory_space<semaphore_mem>>) src(%dma_wait3A_62 : memref<8x16xf32, #tpu.memory_space<vmem_shared>>) dst(%arg16 : memref<1000x16xf32, #tpu.memory_space<vmem>>)
      %scan3A_63 = arith.constant 0 : i32
      %scan3A_64 = arith.constant 1000 : i32
      %scan3A_65 = arith.addi %scan3A_63, %scan3A_64 : i32
      %scan3A_66 = arith.constant 1 : i32
      scf.for %scan3A_68 = %scan3A_63 to %scan3A_65 step %scan3A_66  : i32 {
        %mul3A_69 = arith.constant 1 : i32
        %mul3A_70 = arith.muli %scan3A_68, %mul3A_69 : i32
        %add3A_71 = arith.constant 0 : i32
        %add3A_72 = arith.addi %add3A_71, %mul3A_70 : i32
        %get3A = arith.index_cast %add3A_72 : i32 to index
        %get3A_73 = arith.constant 0 : index
        %get3A_74 = tpu.vector_load %arg14[%get3A, %get3A_73] {strides = array<i32>} : memref<1000x16xf32, #tpu.memory_space<vmem>>, vector<16xf32>,
        %get3A_75 = arith.index_cast %add3A_72 : i32 to index
        %get3A_76 = arith.constant 0 : index
        %get3A_77 = tpu.vector_load %arg15[%get3A_75, %get3A_76] {strides = array<i32>} : memref<1000x16xf32, #tpu.memory_space<vmem>>, vector<16xf32>,
        %add3A_78 = arith.addf %get3A_74, %get3A_77 : vector<16xf32>
        %get3A_79 = arith.index_cast %add3A_72 : i32 to index
        %get3A_80 = arith.constant 0 : index
        %get3A_81 = tpu.vector_load %arg16[%get3A_79, %get3A_80] {strides = array<i32>} : memref<1000x16xf32, #tpu.memory_space<vmem>>, vector<16xf32>,
        %add3A_82 = arith.addf %add3A_78, %get3A_81 : vector<16xf32>
        %gt3A = arith.constant 0.000000e+00 : f32
        %gt3A_83 = vector.broadcast %gt3A : f32 to vector<16xf32>
        %gt3A_84 = arith.cmpf ogt, %add3A_82, %gt3A_83 : vector<16xf32>
        %mul3A_85 = arith.constant 2.000000e-01 : f32
        %mul3A_86 = vector.broadcast %mul3A_85 : f32 to vector<16xf32>
        %mul3A_87 = arith.mulf %mul3A_86, %add3A_82 : vector<16xf32>
        %select_n3A = arith.select %gt3A_84, %add3A_82, %mul3A_87 : vector<16xi1>, vector<16xf32>
        %exp3A = math.exp %select_n3A : vector<16xf32>
        %swap3A = arith.index_cast %add3A_72 : i32 to index
        %swap3A_88 = arith.constant 0 : index
        %swap3A_89 = tpu.vector_load %arg17[%swap3A, %swap3A_88] {strides = array<i32>} : memref<1000x16xf32, #tpu.memory_space<vmem>>, vector<16xf32>,
        tpu.vector_store %arg17[%swap3A, %swap3A_88], %exp3A {strides = array<i32>} : memref<1000x16xf32, #tpu.memory_space<vmem>>, vector<16xf32>,
      }
      %scan3A_67 = arith.constant 1000 : i32
      "tpu.region"() ({
        %run_scoped3A = tpu.sem_alloc : memref<!tpu.dma_semaphore, #tpu.memory_space<semaphore_mem>>
        %dma_start3A_68 = arith.constant 0 : i32
        %dma_start3A_69 = tpu.memref_slice %arg9[%add3A_34, %dma_start3A_68] : memref<160000x16xf32, #tpu.memory_space<hbm>> -> memref<1000x16xf32, #tpu.memory_space<hbm>>
        %dma_start3A_70 = arith.constant 0 : i32
        %dma_start3A_71 = tpu.memref_slice %arg9[%add3A_34, %dma_start3A_70] : memref<160000x16xf32, #tpu.memory_space<hbm>> -> memref<1000x16xf32, #tpu.memory_space<hbm>>
        tpu.enqueue_dma source(%arg17 : memref<1000x16xf32, #tpu.memory_space<vmem>>) target(%dma_start3A_71 : memref<1000x16xf32, #tpu.memory_space<hbm>>) target_semaphore(%run_scoped3A : memref<!tpu.dma_semaphore, #tpu.memory_space<semaphore_mem>>)
        %dma_wait3A_72 = arith.constant 0 : i32
        %dma_wait3A_73 = tpu.memref_slice %arg9[%add3A_34, %dma_wait3A_72] : memref<160000x16xf32, #tpu.memory_space<hbm>> -> memref<1000x16xf32, #tpu.memory_space<hbm>>
        %dma_wait3A_74 = arith.constant 0 : i32
        %dma_wait3A_75 = tpu.memref_slice %arg9[%add3A_34, %dma_wait3A_74] : memref<160000x16xf32, #tpu.memory_space<hbm>> -> memref<1000x16xf32, #tpu.memory_space<hbm>>
        tpu.wait_dma2 semaphore(%run_scoped3A : memref<!tpu.dma_semaphore, #tpu.memory_space<semaphore_mem>>) src(%arg17 : memref<1000x16xf32, #tpu.memory_space<vmem>>) dst(%dma_wait3A_75 : memref<1000x16xf32, #tpu.memory_space<hbm>>)
        tpu.yield
      }) : () -> ()
      "tpu.region"() ({
        %run_scoped3A = tpu.sem_alloc : memref<!tpu.dma_semaphore, #tpu.memory_space<semaphore_mem>>
        %dma_start3A_68 = arith.constant 0 : i32
        %dma_start3A_69 = arith.constant 0 : i32
        %dma_start3A_70 = tpu.memref_slice %arg18[%dma_start3A_68, %dma_start3A_69] : memref<10240x16xf32, #tpu.memory_space<vmem_shared>> -> memref<10240x16xf32, #tpu.memory_space<vmem_shared>>
        tpu.enqueue_indirect_dma source(%arg17 : memref<1000x16xf32, #tpu.memory_space<vmem>>) target(%dma_start3A_70 : memref<10240x16xf32, #tpu.memory_space<vmem_shared>>) offsets(%arg12 : memref<1000xi32, #tpu.memory_space<vmem>>) semaphore(%run_scoped3A : memref<!tpu.dma_semaphore, #tpu.memory_space<semaphore_mem>>) {add = true}
        %dma_wait3A_71 = arith.constant 0 : i32
        %dma_wait3A_72 = arith.constant 0 : i32
        %dma_wait3A_73 = tpu.memref_slice %arg18[%dma_wait3A_71, %dma_wait3A_72] : memref<10240x16xf32, #tpu.memory_space<vmem_shared>> -> memref<10240x16xf32, #tpu.memory_space<vmem_shared>>
        tpu.wait_indirect_dma semaphore(%run_scoped3A : memref<!tpu.dma_semaphore, #tpu.memory_space<semaphore_mem>>) src(%arg17 : memref<1000x16xf32, #tpu.memory_space<vmem>>) dst(%dma_wait3A_73 : memref<10240x16xf32, #tpu.memory_space<vmem_shared>>)
        tpu.yield
      }) : () -> ()
    }
    %scan3A_16 = arith.constant 5 : i32
    %barrier3A_17 = arith.constant 0 : index
    tpu.barrier barrier_id(%barrier3A_17)
    %mul3A_18 = arith.constant 640 : i32
    %mul3A_19 = arith.muli %arg1, %mul3A_18 : i32
    %mul3A_20 = arith.constant 10240 : i32
    %mul3A_21 = arith.muli %arg0, %mul3A_20 : i32
    %mul3A_22 = arith.constant 640 : i32
    %mul3A_23 = arith.muli %arg1, %mul3A_22 : i32
    %add3A_24 = arith.addi %mul3A_21, %mul3A_23 : i32
    "tpu.region"() ({
      %run_scoped3A = tpu.sem_alloc : memref<!tpu.dma_semaphore, #tpu.memory_space<semaphore_mem>>
      %dma_start3A = arith.constant 0 : i32
      %dma_start3A_25 = tpu.memref_slice %arg10[%add3A_24, %dma_start3A] : memref<20480x16xf32, #tpu.memory_space<hbm>> -> memref<640x16xf32, #tpu.memory_space<hbm>>
      %dma_start3A_26 = arith.constant 0 : i32
      %dma_start3A_27 = tpu.memref_slice %arg18[%mul3A_19, %dma_start3A_26] : memref<10240x16xf32, #tpu.memory_space<vmem_shared>> -> memref<640x16xf32, #tpu.memory_space<vmem_shared>>
      tpu.enqueue_dma source(%dma_start3A_27 : memref<640x16xf32, #tpu.memory_space<vmem_shared>>) target(%dma_start3A_25 : memref<640x16xf32, #tpu.memory_space<hbm>>) target_semaphore(%run_scoped3A : memref<!tpu.dma_semaphore, #tpu.memory_space<semaphore_mem>>)
      %dma_wait3A = arith.constant 0 : i32
      %dma_wait3A_28 = tpu.memref_slice %arg10[%add3A_24, %dma_wait3A] : memref<20480x16xf32, #tpu.memory_space<hbm>> -> memref<640x16xf32, #tpu.memory_space<hbm>>
      %dma_wait3A_29 = arith.constant 0 : i32
      %dma_wait3A_30 = tpu.memref_slice %arg18[%mul3A_19, %dma_wait3A_29] : memref<10240x16xf32, #tpu.memory_space<vmem_shared>> -> memref<640x16xf32, #tpu.memory_space<vmem_shared>>
      tpu.wait_dma2 semaphore(%run_scoped3A : memref<!tpu.dma_semaphore, #tpu.memory_space<semaphore_mem>>) src(%dma_wait3A_30 : memref<640x16xf32, #tpu.memory_space<vmem_shared>>) dst(%dma_wait3A_28 : memref<640x16xf32, #tpu.memory_space<hbm>>)
      tpu.yield
    }) : () -> ()
    return
  }
}

module attributes {stable_mosaic.version = 14 : i64} {
  func.func @_dense_body(%arg0: memref<10000x256xf32, #tpu.memory_space<vmem>>, %arg1: memref<256x256xf32, #tpu.memory_space<vmem>>, %arg2: memref<256x16xf32, #tpu.memory_space<vmem>>, %arg3: memref<256x16xf32, #tpu.memory_space<vmem>>, %arg4: memref<512x16xf32, #tpu.memory_space<vmem>>, %arg5: memref<8x64xf32, #tpu.memory_space<vmem>>, %arg6: memref<64x512xf32, #tpu.memory_space<vmem>>, %arg7: memref<2x10000x128xf32, #tpu.memory_space<vmem>>, %arg8: memref<10000x16xf32, #tpu.memory_space<vmem>>, %arg9: memref<10000x16xf32, #tpu.memory_space<vmem>>, %arg10: memref<8x16xf32, #tpu.memory_space<vmem>>) attributes {dimension_semantics = [], scalar_prefetch = 0 : i64, scratch_operands = 0 : i64, tpu.core_type = #tpu.core_type<tc>} {
    %get3A = arith.constant 0 : index
    %get3A_0 = arith.constant 0 : index
    %get3A_1 = vector.load %arg0[%get3A, %get3A_0] : memref<10000x256xf32, #tpu.memory_space<vmem>>, vector<10000x256xf32>
    %get3A_2 = arith.constant 0 : index
    %get3A_3 = arith.constant 0 : index
    %get3A_4 = vector.load %arg1[%get3A_2, %get3A_3] : memref<256x256xf32, #tpu.memory_space<vmem>>, vector<256x256xf32>
    %dot_general3A = arith.constant dense<0.000000e+00> : vector<10000x256xf32>
    %dot_general3A_5 = tpu.matmul %get3A_1, %get3A_4, %dot_general3A {dimension_numbers = #tpu.dot_dimension_numbers<[1], [0], [0], [1], [0, 0, 1, 1], [], []>, transpose_lhs_hint = false} : vector<10000x256xf32>, vector<256x256xf32>, vector<10000x256xf32> -> vector<10000x256xf32>
    %slice3A = vector.extract_strided_slice %dot_general3A_5 {offsets = [0, 0], sizes = [10000, 128], strides = [1, 1]} : vector<10000x256xf32> to vector<10000x128xf32>
    %swap3A = arith.constant 0 : index
    %swap3A_6 = arith.constant 0 : index
    %swap3A_7 = arith.constant 0 : index
    %swap3A_8 = vector.load %arg7[%swap3A, %swap3A_6, %swap3A_7] : memref<2x10000x128xf32, #tpu.memory_space<vmem>>, vector<1x10000x128xf32>
    %swap3A_9 = vector.shape_cast %swap3A_8 : vector<1x10000x128xf32> to vector<10000x128xf32>
    %swap3A_10 = vector.shape_cast %slice3A : vector<10000x128xf32> to vector<1x10000x128xf32>
    tpu.vector_store %arg7[%swap3A, %swap3A_6, %swap3A_7], %swap3A_10 {strides = array<i32>} : memref<2x10000x128xf32, #tpu.memory_space<vmem>>, vector<1x10000x128xf32>,
    %slice3A_11 = vector.extract_strided_slice %dot_general3A_5 {offsets = [0, 128], sizes = [10000, 128], strides = [1, 1]} : vector<10000x256xf32> to vector<10000x128xf32>
    %swap3A_12 = arith.constant 1 : index
    %swap3A_13 = arith.constant 0 : index
    %swap3A_14 = arith.constant 0 : index
    %swap3A_15 = vector.load %arg7[%swap3A_12, %swap3A_13, %swap3A_14] : memref<2x10000x128xf32, #tpu.memory_space<vmem>>, vector<1x10000x128xf32>
    %swap3A_16 = vector.shape_cast %swap3A_15 : vector<1x10000x128xf32> to vector<10000x128xf32>
    %swap3A_17 = vector.shape_cast %slice3A_11 : vector<10000x128xf32> to vector<1x10000x128xf32>
    tpu.vector_store %arg7[%swap3A_12, %swap3A_13, %swap3A_14], %swap3A_17 {strides = array<i32>} : memref<2x10000x128xf32, #tpu.memory_space<vmem>>, vector<1x10000x128xf32>,
    %get3A_18 = arith.constant 0 : index
    %get3A_19 = arith.constant 0 : index
    %get3A_20 = vector.load %arg2[%get3A_18, %get3A_19] : memref<256x16xf32, #tpu.memory_space<vmem>>, vector<256x16xf32>
    %dot_general3A_21 = arith.constant dense<0.000000e+00> : vector<10000x16xf32>
    %dot_general3A_22 = tpu.matmul %dot_general3A_5, %get3A_20, %dot_general3A_21 {dimension_numbers = #tpu.dot_dimension_numbers<[1], [0], [0], [1], [0, 0, 1, 1], [], []>, transpose_lhs_hint = false} : vector<10000x256xf32>, vector<256x16xf32>, vector<10000x16xf32> -> vector<10000x16xf32>
    %swap3A_23 = arith.constant 0 : index
    %swap3A_24 = arith.constant 0 : index
    %swap3A_25 = vector.load %arg8[%swap3A_23, %swap3A_24] : memref<10000x16xf32, #tpu.memory_space<vmem>>, vector<10000x16xf32>
    tpu.vector_store %arg8[%swap3A_23, %swap3A_24], %dot_general3A_22 {strides = array<i32>} : memref<10000x16xf32, #tpu.memory_space<vmem>>, vector<10000x16xf32>,
    %get3A_26 = arith.constant 0 : index
    %get3A_27 = arith.constant 0 : index
    %get3A_28 = vector.load %arg3[%get3A_26, %get3A_27] : memref<256x16xf32, #tpu.memory_space<vmem>>, vector<256x16xf32>
    %dot_general3A_29 = arith.constant dense<0.000000e+00> : vector<10000x16xf32>
    %dot_general3A_30 = tpu.matmul %dot_general3A_5, %get3A_28, %dot_general3A_29 {dimension_numbers = #tpu.dot_dimension_numbers<[1], [0], [0], [1], [0, 0, 1, 1], [], []>, transpose_lhs_hint = false} : vector<10000x256xf32>, vector<256x16xf32>, vector<10000x16xf32> -> vector<10000x16xf32>
    %swap3A_31 = arith.constant 0 : index
    %swap3A_32 = arith.constant 0 : index
    %swap3A_33 = vector.load %arg9[%swap3A_31, %swap3A_32] : memref<10000x16xf32, #tpu.memory_space<vmem>>, vector<10000x16xf32>
    tpu.vector_store %arg9[%swap3A_31, %swap3A_32], %dot_general3A_30 {strides = array<i32>} : memref<10000x16xf32, #tpu.memory_space<vmem>>, vector<10000x16xf32>,
    %get3A_34 = arith.constant 0 : index
    %get3A_35 = arith.constant 0 : index
    %get3A_36 = vector.load %arg5[%get3A_34, %get3A_35] : memref<8x64xf32, #tpu.memory_space<vmem>>, vector<8x64xf32>
    %get3A_37 = arith.constant 0 : index
    %get3A_38 = arith.constant 0 : index
    %get3A_39 = vector.load %arg6[%get3A_37, %get3A_38] : memref<64x512xf32, #tpu.memory_space<vmem>>, vector<64x512xf32>
    %dot_general3A_40 = arith.constant dense<0.000000e+00> : vector<8x512xf32>
    %dot_general3A_41 = tpu.matmul %get3A_36, %get3A_39, %dot_general3A_40 {dimension_numbers = #tpu.dot_dimension_numbers<[1], [0], [0], [1], [0, 0, 1, 1], [], []>, transpose_lhs_hint = false} : vector<8x64xf32>, vector<64x512xf32>, vector<8x512xf32> -> vector<8x512xf32>
    %get3A_42 = arith.constant 0 : index
    %get3A_43 = arith.constant 0 : index
    %get3A_44 = vector.load %arg4[%get3A_42, %get3A_43] : memref<512x16xf32, #tpu.memory_space<vmem>>, vector<512x16xf32>
    %dot_general3A_45 = arith.constant dense<0.000000e+00> : vector<8x16xf32>
    %dot_general3A_46 = tpu.matmul %dot_general3A_41, %get3A_44, %dot_general3A_45 {dimension_numbers = #tpu.dot_dimension_numbers<[1], [0], [0], [1], [0, 0, 1, 1], [], []>, transpose_lhs_hint = false} : vector<8x512xf32>, vector<512x16xf32>, vector<8x16xf32> -> vector<8x16xf32>
    %swap3A_47 = arith.constant 0 : index
    %swap3A_48 = arith.constant 0 : index
    %swap3A_49 = vector.load %arg10[%swap3A_47, %swap3A_48] : memref<8x16xf32, #tpu.memory_space<vmem>>, vector<8x16xf32>
    tpu.vector_store %arg10[%swap3A_47, %swap3A_48], %dot_general3A_46 {strides = array<i32>} : memref<8x16xf32, #tpu.memory_space<vmem>>, vector<8x16xf32>,
    return
  }
}

</mosaic_0001>

<sc_bundles>
// kernel: kernel.12.cloned.1.call-start
scs
__scs_entry_jumppad:
0x0: {  	(pc) =	sbr.rel $0x88, $3  }
0x1: {  	(tag) =	ssettag $0x0;
	lr =	simm.s32 $0x1  }
0x2: {  	[smem:$0x3F98] =	sst lr;
	_ =	strace $0xD0000000  }
0x3: {  	_ = 	snop  }
0x4: {  	_ = 	snop  }
0x5: {  	_ = 	snop  }
0x6: {  	_ = 	snop  }
0x7: {  	_ = 	snop  }
__scs_overlays_trampoline_lowered:
0x8: {  	[smem:$0x3FA7] =	sst s0  }
0x9: {  	[smem:$0x3FA8] =	sst s1  }
0xa: {  	[smem:$0x3FA9] =	sst s2  }
0xb: {  	[smem:$0x3FAA] =	sst s3  }
0xc: {  	[smem:$0x3FAB] =	sst s4  }
0xd: {  	[smem:$0x3FAC] =	sst s5  }
0xe: {  	[smem:$0x3FAD] =	sst s6  }
0xf: {  	[smem:$0x3FAE] =	sst s7  }
0x10: {  	[smem:$0x3FAF] =	sst s8  }
0x11: {  	[smem:$0x3FB0] =	sst s9;
	s0 =	simm.s32 @!p0 $0x0  }
0x12: {  	s1 =	sld [smem:$0x3F96];
	s0 =	simm.s32 @p0 $0x1  }
0x13: {  	[smem:$0x3FB1] =	sst s0;
	s0 =	simm.s32 @!p1 $0x0  }
0x14: {  	s2 =	sld [smem:$0x3F95];
	s0 =	simm.s32 @p1 $0x1  }
0x15: {  	[smem:$0x3FB2] =	sst s0;
	s0 =	simm.s32 @!p2 $0x0  }
0x16: {  	s3 =	sld [smem:$0x3FDB];
	s0 =	simm.s32 @p2 $0x1  }
0x17: {  	s4 =	simm.s32 $0x1BF5;
	[smem:$0x3FB4] =	sst s0  }
0x18: {  	s0 =	sld [smem:$0x3F97];
	_ =	swait.ge [sflag:s4], $0x0  }
0x19: {  	s7 =	sld [smem:$0x3F98]  }
0x1a: {  	s8 =	sadd.s32 $0xFFFFE003, lr  }
0x1b: {  	s9 =	sadd.s32 $0xFFFFFEF7, lr;
	s5 =	simm.s32 $0xFFFFFFFF;
	p2 =	slt.u32 s8, $0xFFFFF086  }
0x1c: {  	p1 =	slt.u32 s9, $0xF7A;
	s5 =	simm.s32 @!p2 $0x0  }
0x1d: {  	s5 =	simm.s32 @p1 $0x1;
	p0 =	seq.s32 s7, s2  }
0x1e: {  	s7 =	smul.u32 @!p0 $0xF7A, s2;
	p2 =	seq.s32 @!p0 s5, $0x0  }
0x1f: {  	s9 =	smul.u32 $0xF7A, s1;
	s8 =	simm.s32 @!p0 $0x1BF5;
	p2 =	por !p2, p0  }
0x20: {  	[sflag:s8] =	ssyncset.s32 @!p0 $0xFFFFF086;
	s6 =	sadd.s32 @!p0 s3, s7;
	s7 =	simm.s32 @!p0 $0x108  }
0x21: {  	s3 =	sadd.s32 s3, s9;
	s6 =	sadd.s32 @!p0 $0x88, s6;
	s7 =	simm.s32 @p2 $0x1082  }
0x22: {  	[simem:s7], [sflag:s8] =	dma.local @!p0 [hbm:s6], $0xF7A  }
0x23: {  	s9 =	sor.u32 $0xD0000000, s2;
	s6 =	simm.s32 $0x108;
	_ =	swait.ge @!p0 [sflag:s8], $0x0  }
0x24: {  	s3 =	sadd.s32 $0x88, s3;
	s6 =	simm.s32 @!p1 $0x1082;
	[sflag:s4] =	ssyncset.s32 $0xFFFFF086  }
0x25: {  	[simem:s6], [sflag:s4] =	dma.local [hbm:s3], $0xF7A  }
0x26: {  	[smem:$0x3F98] =	sst s1;
	(tag) =	ssettag s2;
	_ =	strace s9  }
0x27: {  	s1 =	sld [smem:$0x3FA8]  }
0x28: {  	s2 =	sld [smem:$0x3FA9]  }
0x29: {  	s4 =	sld [smem:$0x3FAB]  }
0x2a: {  	p0 =	seq.s32 s5, $0x0;
	s5 =	sld [smem:$0x3FAC]  }
0x2b: {  	s6 =	sld [smem:$0x3FAD]  }
0x2c: {  	s7 =	sld [smem:$0x3FAE]  }
0x2d: {  	s3 =	simm.s32 $0x108;
	s8 =	sld [smem:$0x3FAF]  }
0x2e: {  	s3 =	simm.s32 @!p0 $0x1082;
	s9 =	sld [smem:$0x3FB0]  }
0x2f: {  	lr =	sadd.s32 s0, s3;
	s0 =	sld [smem:$0x3FA7]  }
0x30: {  	s3 =	sld [smem:$0x3FAA]  }
0x31: {  	[smem:$0x3FB3] =	sst s10  }
0x32: {  	s10 =	sld [smem:$0x3FB1];
	_ =	sdelay $0x3  }
0x33: {  	p0 =	seq.s32 s10, $0x1;
	s10 =	sld [smem:$0x3FB3];
	_ =	sdelay $0x3  }
0x34: {  	[smem:$0x3FB3] =	sst s10  }
0x35: {  	s10 =	sld [smem:$0x3FB2];
	_ =	sdelay $0x3  }
0x36: {  	p1 =	seq.s32 s10, $0x1;
	s10 =	sld [smem:$0x3FB3];
	_ =	sdelay $0x3  }
0x37: {  	[smem:$0x3FB3] =	sst s10  }
0x38: {  	s10 =	sld [smem:$0x3FB4]  }
0x39: {  	_ = 	snop;
	(pc) =	sbr.ind lr, $3  }
0x3a: {  	_ = 	snop  }
0x3b: {  	_ = 	snop  }
0x3c: {  	p2 =	seq.s32 s10, $0x1;
	s10 =	sld [smem:$0x3FB3]  }
0x3d: {  	_ =	shalt  }
0x3e: {  	_ =	shalt  }
0x3f: {  	_ =	shalt  }
0x40: {  	_ =	shalt  }
0x41: {  	_ =	shalt  }
0x42: {  	_ =	shalt  }
0x43: {  	_ =	shalt  }
0x44: {  	_ =	shalt  }
0x45: {  	_ =	shalt  }
0x46: {  	_ =	shalt  }
0x47: {  	_ =	shalt  }
0x48: {  	_ =	shalt  }
0x49: {  	_ =	shalt  }
0x4a: {  	_ =	shalt  }
0x4b: {  	_ =	shalt  }
0x4c: {  	_ =	shalt  }
0x4d: {  	_ =	shalt  }
0x4e: {  	_ =	shalt  }
0x4f: {  	_ =	shalt  }
0x50: {  	_ =	shalt  }
0x51: {  	_ =	shalt  }
0x52: {  	_ =	shalt  }
0x53: {  	_ =	shalt  }
0x54: {  	_ =	shalt  }
0x55: {  	_ =	shalt  }
0x56: {  	_ =	shalt  }
0x57: {  	_ =	shalt  }
0x58: {  	_ =	shalt  }
0x59: {  	_ =	shalt  }
0x5a: {  	_ =	shalt  }
0x5b: {  	_ =	shalt  }
0x5c: {  	_ =	shalt  }
0x5d: {  	_ =	shalt  }
0x5e: {  	_ =	shalt  }
0x5f: {  	_ =	shalt  }
0x60: {  	_ =	shalt  }
0x61: {  	_ =	shalt  }
0x62: {  	_ =	shalt  }
0x63: {  	_ =	shalt  }
0x64: {  	_ =	shalt  }
0x65: {  	_ =	shalt  }
0x66: {  	_ =	shalt  }
0x67: {  	_ =	shalt  }
0x68: {  	_ =	shalt  }
0x69: {  	_ =	shalt  }
0x6a: {  	_ =	shalt  }
0x6b: {  	_ =	shalt  }
0x6c: {  	_ =	shalt  }
0x6d: {  	_ =	shalt  }
0x6e: {  	_ =	shalt  }
0x6f: {  	_ =	shalt  }
0x70: {  	_ =	shalt  }
0x71: {  	_ =	shalt  }
0x72: {  	_ =	shalt  }
0x73: {  	_ =	shalt  }
0x74: {  	_ =	shalt  }
0x75: {  	_ =	shalt  }
0x76: {  	_ =	shalt  }
0x77: {  	_ =	shalt  }
0x78: {  	_ =	shalt  }
0x79: {  	_ =	shalt  }
0x7a: {  	_ =	shalt  }
0x7b: {  	_ =	shalt  }
0x7c: {  	_ =	shalt  }
0x7d: {  	_ =	shalt  }
0x7e: {  	_ =	shalt  }
0x7f: {  	_ =	shalt  }
0x80: {  	_ =	shalt  }
0x81: {  	_ =	shalt  }
0x82: {  	_ =	shalt  }
0x83: {  	_ =	shalt  }
0x84: {  	_ =	shalt  }
0x85: {  	_ =	shalt  }
0x86: {  	_ =	shalt  }
0x87: {  	_ =	shalt  }
.Lfunc_end0:
.L_simem_size_0:
called_computation.2_lowered:
.L_overlay_start_0:
0x88: {  	s2 =	sld [smem:$0x3FD9]  }
0x89: {  	s3 =	sld [smem:$0x3FFE];
	_ =	sdelay $0x1  }
0x8a: {  	s1 =	srdreg.scid  }
0x8b: {  	s0 =	sand.u32 $0x1, s1  }
0x8c: {  	s14 =	sshll.u32 s0, $0xA;
	s2 =	sadd.s32 s3, s2  }
0x8d: {  	s2 =	sadd.s32 s2, s14  }
0x8e: {  	[smem:$0x3FBF] =	sst s2  }
0x8f: {  	_ = 	snop  }
0x90: {  	s2 =	sld [smem:$0x3FD0];
	_ =	sdelay $0x2  }
0x91: {  	s15 =	simm.s32 $0xA;
	s4 =	simm.s32 $0x10  }
0x92: {  	[smem:s4], [sflag:s15] =	dma.local [hbm:s2], $0x1  }
0x93: {  	_ =	swait.eq [sflag:s15], $0x1  }
0x94: {  	[sflag:s15] =	ssyncset.done $0x0  }
0x95: {  	[sflag:s15] =	ssyncadd.s32 $0xFFFFFFFF  }
0x96: {  	s16 =	sld [smem:$0x10];
	(tm) =	ssettm $0x1  }
0x97: {  	s17 =	sld [smem:$0x3FFB];
	_ =	sdelay $0x3  }
0x98: {  	_ =	strace s17  }
0x99: {  	s3 =	sld [smem:$0x3FFC];
	_ =	sdelay $0x3  }
0x9a: {  	_ =	strace s3  }
0x9b: {  	s3 =	sld [smem:$0x3FFD];
	_ =	sdelay $0x3  }
0x9c: {  	_ =	strace s3  }
0x9d: {  	_ =	strace $0x8FFFFFFF  }
0x9e: {  	s18 =	sld [smem:$0x3FDB];
	_ =	sdelay $0x1  }
0x9f: {  	s19 =	simm.s32 $_scs_section_size  }
0xa0: {  	s5 =	simm.s32 $_size__tile_overlayer_lowered;
	s6 =	simm.s32 $_tile_overlayer_lowered  }
0xa1: {  	s22 =	simm.s32 $0x1BFF;
	s21 =	sshll.u32 s6, $0x1;
	s3 =	sadd.s32 s19, s18  }
0xa2: {  	s7 =	simm.s32 $0x0;
	s20 =	sshll.u32 s5, $0x1;
	s5 =	sadd.s32 s21, s3  }
0xa3: {  	[timem:s7], [sflag:s22] =	dma.local [hbm:s5], s20  }
0xa4: {  	_ =	swait.ge [sflag:s22], s20  }
0xa5: {  	s4 =	ssub.s32 $0x0, s20;
	[sflag:s22] =	ssyncset.done $0x0  }
0xa6: {  	[sflag:s22] =	ssyncadd.s32 s4;
	_ =	sdelay $0x1  }
0xa7: {  	s23 =	simm.s32 $0x1B8B  }
0xa8: {  	_ =	swait.ge [sflag:s23], $0x1  }
0xa9: {  	[sflag:s23] =	ssyncset.done $0x0  }
0xaa: {  	s25 =	simm.s32 $0x1B8E;
	s24 =	sld [smem:$0x3FFE];
	[sflag:s23] =	ssyncadd.s32 $0xFFFFFFFF  }
0xab: {  	s26 =	simm.s32 $execute0_lowered;
	[smem:$0x3FD2] =	sst s25  }
0xac: {  	s5 =	sshll.u32 s26, $0x1;
	_ =	strace $0x8000004C;
	[dreg:$0x1] =	wrdreg $0xFFFFFFFF  }
0xad: {  	s28 =	simm.s32 $_size_execute0_lowered;
	s3 =	sadd.s32 s3, s5;
	[dreg:$0x0] =	wrdreg $0x0  }
0xae: {  	s5 =	sshll.u32 s28, $0x1;
	[dreg:$0x2] =	wrdreg s3  }
0xaf: {  	[dreg:$0x3] =	wrdreg s5  }
0xb0: {  	[dreg:$0x4] =	wrdreg $0xC0  }
0xb1: {  	_ =	task [dreg:s7], $0x5FFFF  }
0xb2: {  	[dreg:$0x1] =	wrdreg $0xFFFFFFFF  }
0xb3: {  	[dreg:$0x0] =	wrdreg $0x60  }
0xb4: {  	[dreg:$0x2] =	wrdreg s24  }
0xb5: {  	[dreg:$0x3] =	wrdreg s16  }
0xb6: {  	[dreg:$0x4] =	wrdreg $0xE7400  }
0xb7: {  	[dreg:$0x5] =	wrdreg $0x9  }
0xb8: {  	_ =	task.clear_ibuf [dreg:s7], $0x6FFFF;
	_ =	strace $0x9000004C  }
0xb9: {  	s29 =	simm.s32 $0x9;
	_ =	strace $0x8000004E  }
0xba: {  	_ =	swait.ge [sflag:s29], $0x1  }
0xbb: {  	[sflag:s29] =	ssyncadd.s32 $0xFFFFFFFF  }
0xbc: {  	_ =	strace $0x9000004E  }
0xbd: {  	_ =	sfence  }
0xbe: {  	s30 =	sld [smem:$0x0];
	_ =	sdelay $0x2  }
0xbf: {  	s31 =	sshll.u32 s1, $0xD;
	s1 =	sshrl.u32 s1, $0x2  }
0xc0: {  	s3 =	sand.u32 $0x4000, s31;
	s1 =	sadd.s32 s1, s30  }
0xc1: {  	s0 =	sor.u32 s3, s0;
	s1 =	sshll.u32 s1, $0x11  }
0xc2: {  	s0 =	sor.u32 s1, s0  }
0xc3: {  	s0 =	sadd.s32 $0x8F2B, s0  }
0xc4: {  	[sflag:s0] =	ssyncadd.remote.s32 $0x1  }
0xc5: {  	_ =	sfence.sel $0xFFFF  }
0xc6: {  	[dreg:$0x0] =	wrdreg $0xFFFFFFFF;
	(pc) =	sbr.abs _section_cstart, $3  }
0xc7: {  	[dreg:$0x1] =	wrdreg $0xFFFFFFFF  }
0xc8: {  	_ =	task.clear_ibuf [dreg:s7], $0x2FFFF;
	_ =	strace $0x9FFFFFFF  }
0xc9: {  	(tm) =	ssettm $0x7FFFFFFF  }
tec
execute0_lowered:
.L_overlay_start_1:
0x0: {  	(tag) =	ssettag $0x1  }
0x1: {  	s0 =	rddreg [dreg:$0x0]  }
0x2: {  	s2 =	rddreg [dreg:$0x1]  }
0x3: {  	s3 =	rddreg [dreg:$0x2]  }
0x4: {  	s1 =	simm.s32 $0x0;
	s11 =	stileid.u32;
	s4 =	srdreg.scid  }
0x5: {  	s28 =	simm.s32 $0x12C0;
	s29 =	simm.s32 $0x1;
	s30 =	simm.s32 $0x3  }
0x6: {  	s31 =	simm.s32 $0x5;
	s18 =	simm.s32 $0x6;
	[smem:$0x7FF] =	sst s1  }
0x7: {  	s19 =	smul.u32 $0xA000, s11;
	s5 =	sadd.s32 $0x63800, s0;
	s6 =	sadd.s32 $0x6400, s0  }
0x8: {  	s4 =	sand.u32 $0x1, s4;
	s7 =	sadd.s32 $0x1400, s0;
	s10 =	smul.u32 $0x2710, s11  }
0x9: {  	s21 =	smul.u32 $0x280, s11;
	s22 =	sshll.u32 s11, $0x6;
	_ =	strace $0x8000004D  }
0xa: {  	s9 =	ssub.s32 $0x2, s4;
	s4 =	sshll.u32 s4, $0x1;
	s12 =	sor.u32 $0x1C07, s22  }
0xb: {  	s22 =	simm.s32 $0x190;
	s8 =	sshrl.u32 s19, $0x3;
	[dreg:$0x5] =	wrdreg s4  }
0xc: {  	s20 =	sshrl.u32 s9, $0x1;
	[dreg:$0x6] =	wrdreg s21;
	s1 =	sadd.s32 s19, s3  }
0xd: {  	s23 =	sshrl.u32 s10, $0x3;
	s26 =	sadd.s32 s5, s10;
	s16 =	sadd.s32 $0x190, s10  }
0xe: {  	s17 =	sadd.s32 $0x320, s10;
	s21 =	simm.s32 $0x320;
	s8 =	sadd.s32 s8, s0  }
0xf: {  	s0 =	sadd.s32 $0x8AA00, s0;
	s24 =	sadd.s32 s6, s23;
	s25 =	sadd.s32 s7, s23  }
0x10: {  	[dreg:$0xa] =	wrdreg s26;
	s19 =	sshrl.u32 s1, $0x3;
	s23 =	simm.s32 $0x1F40  }
0x11: {  	s26 =	simm.s32 $0x8340;
	s1 =	simm.s32 $0x4;
	[dreg:$0x4] =	wrdreg s0  }
0x12: {  	s0 =	ssub.s32 s9, s20;
	s8 =	sadd.s32 $0xB400, s8;
	[dreg:$0x8] =	wrdreg s24  }
0x13: {  	[dreg:$0x9] =	wrdreg s25;
	s20 =	simm.s32 $0x7;
	s24 =	simm.s32 $0x640  }
0x14: {  	s25 =	simm.s32 $0x4B0;
	[dreg:$0x7] =	wrdreg s8;
	s0 =	smax.u32 s0, $0x1  }
0x15: {  	s8 =	simm.s32 $0x0;
	[dreg:$0xb] =	wrdreg s0;
	s0 =	simm.s32 $0x2  }
.LBB2_1:
0x16: {  	[dreg:$0xc] =	wrdreg s8;
	p1 =	por $0x1, $0x1;
	s4 =	simm.s32 $0x0  }
.LBB2_2:
0x17: {  	s8 =	rddreg [dreg:$0x7]  }
0x18: {  	[spmem:s19], [sflag:s12] =	dma.local [hbm:s8], $0x1400  }
0x19: {  	_ =	swait.ge [sflag:s20], $0x1400  }
0x1a: {  	[sflag:s20] =	ssyncset.done $0x0  }
0x1b: {  	[sflag:s20] =	ssyncadd.s32 $0xFFFFEC00  }
0x1c: {  	[bflag:$0x0] =	sbarrier.arrive $0xFFFF  }
0x1d: {  	s8 =	simm.s32 $0x0;
	s9 =	rddreg [dreg:$0x8]  }
0x1e: {  	[tilespmem:s21], [sflag:$0x7] =	stream.linear.gather [hbm4b:s9+s8], $0x190, $0x38;
	[tilespmem:$0x18740] =	vst v63  }
0x1f: {  	_ =	swait.ge [sflag:s20], $0x190  }
0x20: {  	[sflag:s20] =	ssyncset.done $0x0  }
0x21: {  	s11 =	rddreg [dreg:$0x9];
	[sflag:s20] =	ssyncadd.s32 $0xFFFFFE70  }
0x22: {  	[tilespmem:s8], [sflag:$0x7] =	stream.linear.gather [hbm4b:s11+s8], $0x190, $0x38;
	[tilespmem:$0x18740] =	vst v63  }
0x23: {  	_ =	swait.ge [sflag:s20], $0x190  }
0x24: {  	[sflag:s20] =	ssyncset.done $0x0  }
0x25: {  	[sflag:s20] =	ssyncadd.s32 $0xFFFFFE70  }
0x26: {  	v0 =	vld [tilespmem:$0x320]  }
0x27: {  	s13 =	rddreg [dreg:$0x5];
	v1 =	vld [tilespmem:$0x330]  }
0x28: {  	s4 =	sor.u32 s13, s4;
	v2 =	vld [tilespmem:$0x340]  }
0x29: {  	s9 =	smul.u32 $0x2710, s4;
	v3 =	vld [tilespmem:$0x350]  }
0x2a: {  	v4 =	vld [tilespmem:$0x360]  }
0x2b: {  	v5 =	vld [tilespmem:$0x370];
	v0 =	vadd.s32 s9, v0  }
0x2c: {  	[tilespmem:$0x320] =	vst v0;
	v0 =	vadd.s32 s9, v1;
	v1 =	vld [tilespmem:$0x380]  }
0x2d: {  	[tilespmem:$0x330] =	vst v0;
	v0 =	vadd.s32 s9, v2;
	v2 =	vld [tilespmem:$0x390]  }
0x2e: {  	[tilespmem:$0x340] =	vst v0;
	v0 =	vadd.s32 s9, v3;
	v3 =	vld [tilespmem:$0x3A0]  }
0x2f: {  	[tilespmem:$0x350] =	vst v0;
	v0 =	vadd.s32 s9, v4;
	v4 =	vld [tilespmem:$0x3B0]  }
0x30: {  	[tilespmem:$0x360] =	vst v0;
	v0 =	vadd.s32 s9, v5;
	v5 =	vld [tilespmem:$0x3C0]  }
0x31: {  	[tilespmem:$0x370] =	vst v0;
	v0 =	vadd.s32 s9, v1;
	v1 =	vld [tilespmem:$0x3D0]  }
0x32: {  	[tilespmem:$0x380] =	vst v0;
	v0 =	vadd.s32 s9, v2;
	v2 =	vld [tilespmem:$0x3E0]  }
0x33: {  	[tilespmem:$0x390] =	vst v0;
	v0 =	vadd.s32 s9, v3;
	v3 =	vld [tilespmem:$0x3F0]  }
0x34: {  	[tilespmem:$0x3A0] =	vst v0;
	v0 =	vadd.s32 s9, v4;
	v4 =	vld [tilespmem:$0x400]  }
0x35: {  	[tilespmem:$0x3B0] =	vst v0;
	v0 =	vadd.s32 s9, v5;
	v5 =	vld [tilespmem:$0x410]  }
0x36: {  	[tilespmem:$0x3C0] =	vst v0;
	v0 =	vadd.s32 s9, v1;
	v1 =	vld [tilespmem:$0x420]  }
0x37: {  	[tilespmem:$0x3D0] =	vst v0;
	v0 =	vadd.s32 s9, v2;
	v2 =	vld [tilespmem:$0x430]  }
0x38: {  	[tilespmem:$0x3E0] =	vst v0;
	v0 =	vadd.s32 s9, v3;
	v3 =	vld [tilespmem:$0x440]  }
0x39: {  	[tilespmem:$0x3F0] =	vst v0;
	v0 =	vadd.s32 s9, v4;
	v4 =	vld [tilespmem:$0x450]  }
0x3a: {  	[tilespmem:$0x400] =	vst v0;
	v0 =	vadd.s32 s9, v5;
	v5 =	vld [tilespmem:$0x460]  }
0x3b: {  	[tilespmem:$0x410] =	vst v0;
	v0 =	vadd.s32 s9, v1;
	v1 =	vld [tilespmem:$0x470]  }
0x3c: {  	[tilespmem:$0x420] =	vst v0;
	v0 =	vadd.s32 s9, v2;
	v2 =	vld [tilespmem:$0x480]  }
0x3d: {  	[tilespmem:$0x430] =	vst v0;
	v0 =	vadd.s32 s9, v3;
	v3 =	vld [tilespmem:$0x490]  }
0x3e: {  	[tilespmem:$0x440] =	vst v0;
	v0 =	vadd.s32 s9, v4;
	v4 =	vld [tilespmem:$0x4A0]  }
0x3f: {  	[tilespmem:$0x450] =	vst v0;
	v0 =	vadd.s32 s9, v5  }
0x40: {  	[tilespmem:$0x460] =	vst v0;
	v0 =	vadd.s32 s9, v1  }
0x41: {  	[tilespmem:$0x470] =	vst v0;
	v0 =	vadd.s32 s9, v2  }
0x42: {  	[tilespmem:$0x480] =	vst v0;
	v0 =	vadd.s32 s9, v3  }
0x43: {  	p0 =	por p1, p1;
	[tilespmem:$0x490] =	vst v0;
	v0 =	vadd.s32 s9, v4  }
0x44: {  	s11 =	rddreg [dreg:$0xa];
	s10 =	sshll.u32 s4, $0x1;
	s14 =	sshllo.u32 s4, $0x1;
	[tilespmem:$0x4A0] =	vst v0  }
0x45: {  	[tilespmem:s23], [sflag:$0x1] =	stream.indirect.gather [hbm4b:s2+s22], $0x40, s21, s22, $0xb8;
	[tilespmem:$0x18740] =	vst v63  }
0x46: {  	s15 =	sor.u32 $0x8, s10;
	v4 =	vmov s9;
	s9 =	simm.s32 $0x0;
	v0 =	vmov s10;
	s10 =	sor.u32 $0x9, s10  }
0x47: {  	v1 =	vmov s14;
	v2 =	vmov s15;
	v3 =	vmov s10;
	[tilespmem:s24], [sflag:$0x3] =	stream.linear.gather [hbm4b:s11+s8], $0xC80, $0x38;
	[tilespmem:$0x18740] =	vst v63  }
.LBB2_3:
0x48: {  	p1 =	seq.s32 s9, $0x0;
	s10 =	smul.u32 $0x320, s9  }
0x49: {  	s13 =	simm.s32 @!p1 $0x6  }
0x4a: {  	_ =	swait.ge @!p1 [sflag:s13], $0x6400;
	s11 =	sadd.s32 s10, s16  }
0x4b: {  	[sflag:s13] =	ssyncset.done @!p1 $0x0;
	s14 =	sshrl.u32 s11, $0x3  }
0x4c: {  	[sflag:s13] =	ssyncadd.s32 @!p1 $0xFFFF9C00;
	s15 =	sadd.s32 s6, s14  }
0x4d: {  	[tilespmem:s25], [sflag:$0x7] =	stream.linear.gather [hbm4b:s15+s8], $0x190, $0x38;
	[tilespmem:$0x18740] =	vst v63  }
0x4e: {  	_ =	swait.ge [sflag:s20], $0x190  }
0x4f: {  	[sflag:s20] =	ssyncset.done $0x0  }
0x50: {  	s14 =	sadd.s32 s7, s14;
	[sflag:s20] =	ssyncadd.s32 $0xFFFFFE70  }
0x51: {  	[tilespmem:s22], [sflag:$0x7] =	stream.linear.gather [hbm4b:s14+s8], $0x190, $0x38;
	[tilespmem:$0x18740] =	vst v63  }
0x52: {  	_ =	swait.ge [sflag:s20], $0x190  }
0x53: {  	[sflag:s20] =	ssyncset.done $0x0  }
0x54: {  	[sflag:s20] =	ssyncadd.s32 $0xFFFFFE70  }
0x55: {  	v5 =	vld [tilespmem:$0x4B0]  }
0x56: {  	v6 =	vld [tilespmem:$0x4C0]  }
0x57: {  	v7 =	vld [tilespmem:$0x4D0]  }
0x58: {  	v8 =	vld [tilespmem:$0x4E0]  }
0x59: {  	v9 =	vld [tilespmem:$0x4F0]  }
0x5a: {  	v10 =	vld [tilespmem:$0x500];
	v5 =	vadd.s32 v4, v5  }
0x5b: {  	[tilespmem:$0x4B0] =	vst v5;
	v5 =	vadd.s32 v4, v6;
	v6 =	vld [tilespmem:$0x510]  }
0x5c: {  	[tilespmem:$0x4C0] =	vst v5;
	v5 =	vadd.s32 v4, v7;
	v7 =	vld [tilespmem:$0x520]  }
0x5d: {  	[tilespmem:$0x4D0] =	vst v5;
	v5 =	vadd.s32 v4, v8;
	v8 =	vld [tilespmem:$0x530]  }
0x5e: {  	[tilespmem:$0x4E0] =	vst v5;
	v5 =	vadd.s32 v4, v9;
	v9 =	vld [tilespmem:$0x540]  }
0x5f: {  	[tilespmem:$0x4F0] =	vst v5;
	v5 =	vadd.s32 v4, v10;
	v10 =	vld [tilespmem:$0x550]  }
0x60: {  	[tilespmem:$0x500] =	vst v5;
	v5 =	vadd.s32 v4, v6;
	v6 =	vld [tilespmem:$0x560]  }
0x61: {  	[tilespmem:$0x510] =	vst v5;
	v5 =	vadd.s32 v4, v7;
	v7 =	vld [tilespmem:$0x570]  }
0x62: {  	[tilespmem:$0x520] =	vst v5;
	v5 =	vadd.s32 v4, v8;
	v8 =	vld [tilespmem:$0x580]  }
0x63: {  	[tilespmem:$0x530] =	vst v5;
	v5 =	vadd.s32 v4, v9;
	v9 =	vld [tilespmem:$0x590]  }
0x64: {  	[tilespmem:$0x540] =	vst v5;
	v5 =	vadd.s32 v4, v10;
	v10 =	vld [tilespmem:$0x5A0]  }
0x65: {  	[tilespmem:$0x550] =	vst v5;
	v5 =	vadd.s32 v4, v6;
	v6 =	vld [tilespmem:$0x5B0]  }
0x66: {  	[tilespmem:$0x560] =	vst v5;
	v5 =	vadd.s32 v4, v7;
	v7 =	vld [tilespmem:$0x5C0]  }
0x67: {  	[tilespmem:$0x570] =	vst v5;
	v5 =	vadd.s32 v4, v8;
	v8 =	vld [tilespmem:$0x5D0]  }
0x68: {  	[tilespmem:$0x580] =	vst v5;
	v5 =	vadd.s32 v4, v9;
	v9 =	vld [tilespmem:$0x5E0]  }
0x69: {  	[tilespmem:$0x590] =	vst v5;
	v5 =	vadd.s32 v4, v10;
	v10 =	vld [tilespmem:$0x5F0]  }
0x6a: {  	[tilespmem:$0x5A0] =	vst v5;
	v5 =	vadd.s32 v4, v6;
	v6 =	vld [tilespmem:$0x600]  }
0x6b: {  	[tilespmem:$0x5B0] =	vst v5;
	v5 =	vadd.s32 v4, v7;
	v7 =	vld [tilespmem:$0x610]  }
0x6c: {  	[tilespmem:$0x5C0] =	vst v5;
	v5 =	vadd.s32 v4, v8;
	v8 =	vld [tilespmem:$0x620]  }
0x6d: {  	[tilespmem:$0x5D0] =	vst v5;
	v5 =	vadd.s32 v4, v9;
	v9 =	vld [tilespmem:$0x630]  }
0x6e: {  	[tilespmem:$0x5E0] =	vst v5;
	v5 =	vadd.s32 v4, v10  }
0x6f: {  	[tilespmem:$0x5F0] =	vst v5;
	v5 =	vadd.s32 v4, v6  }
0x70: {  	[tilespmem:$0x600] =	vst v5;
	v5 =	vadd.s32 v4, v7  }
0x71: {  	[tilespmem:$0x610] =	vst v5;
	v5 =	vadd.s32 v4, v8  }
0x72: {  	[tilespmem:$0x620] =	vst v5;
	v5 =	vadd.s32 v4, v9  }
0x73: {  	[tilespmem:$0x630] =	vst v5  }
0x74: {  	[tilespmem:s26], [sflag:$0x2] =	stream.indirect.gather [hbm4b:s2+s22], $0x40, s25, s22, $0xb8;
	[tilespmem:$0x18740] =	vst v63  }
0x75: {  	s11 =	sadd.s32 s5, s11  }
0x76: {  	[tilespmem:s28], [sflag:$0x4] =	stream.linear.gather [hbm4b:s11+s8], $0xC80, $0x38;
	[tilespmem:$0x18740] =	vst v63  }
0x77: {  	_ =	swait.ge [sflag:s29], $0x6400  }
0x78: {  	[sflag:s29] =	ssyncset.done $0x0  }
0x79: {  	[sflag:s29] =	ssyncadd.s32 $0xFFFF9C00  }
0x7a: {  	_ =	swait.ge [sflag:s30], $0xC80  }
0x7b: {  	[sflag:s30] =	ssyncset.done $0x0  }
0x7c: {  	s15 =	simm.s32 $0x0;
	s11 =	simm.s32 $0x1F80;
	[sflag:s30] =	ssyncadd.s32 $0xFFFFF380  }
0x7d: {  	v6 =	vor.u32 s15, v0;
	v5 =	vld [tilespmem:s11+$0xFFFFFFF0]  }
0x7e: {  	v7 =	vor.u32 s15, v2;
	v9 =	vld [tilespmem:s11+$0x0]  }
0x7f: {  	v10 =	vld [tilespmem:s11+$0xFFFFFFC0]  }
0x80: {  	v12 =	vld [tilespmem:s11+$0xFFFFFFD0]  }
0x81: {  	v8 =	vor.u32 s15, v1;
	v15 =	vld [tilespmem:s11+$0x10]  }
0x82: {  	v13 =	vor.u32 s15, v3;
	v16 =	vld.idx.msk [tilespmem:v6+s24+$0x0], $0xffff  }
0x83: {  	v17 =	vld.idx.msk [tilespmem:v7+s24+$0x0], $0xffff  }
0x84: {  	v7 =	vld [tilespmem:s11+$0xFFFFFFE0]  }
0x85: {  	v6 =	vld [tilespmem:s11+$0x20]  }
0x86: {  	v11 =	vld.idx.msk [tilespmem:v8+s24+$0x0], $0xffff  }
0x87: {  	v8 =	vld.idx.msk [tilespmem:v13+s24+$0x0], $0xffff  }
0x88: {  	v14 =	vmul.f32 v10, v16;
	v10 =	vld [tilespmem:s11+$0x30]  }
0x89: {  	v12 =	vmul.f32 v12, v16  }
0x8a: {  	s13 =	simm.s32 $0x1;
	s14 =	simm.s32 $0x1F80;
	v13 =	vmul.f32 v9, v17;
	v9 =	vmul.f32 v15, v17  }
.LBB2_4:
0x8b: {  	p1 =	sne.s32 s13, $0xC7  }
0x8c: {  	[tilespmem:s11+$0xFFFFFFC0] =	vst v14;
	v7 =	vmul.f32 v7, v11;
	v11 =	vmul.f32 v5, v11;
	s14 =	sadd.s32 $0x80, s14;
	s15 =	smov.u32 s13;
	s13 =	sadd.s32 $0x1, s13  }
0x8d: {  	v6 =	vmul.f32 v6, v8;
	v5 =	vld [tilespmem:s14+$0xFFFFFFF0];
	[tilespmem:s11+$0x0] =	vst v13;
	v8 =	vmul.f32 v10, v8  }
0x8e: {  	s15 =	sshll.u32 s15, $0x4;
	v13 =	vld [tilespmem:s14+$0x0];
	[tilespmem:s11+$0xFFFFFFD0] =	vst v12  }
0x8f: {  	v10 =	vor.u32 s15, v0;
	v12 =	vor.u32 s15, v1;
	v14 =	vor.u32 s15, v2;
	v15 =	vld [tilespmem:s14+$0xFFFFFFC0];
	[tilespmem:s11+$0xFFFFFFE0] =	vst v7  }
0x90: {  	v16 =	vor.u32 s15, v3;
	v7 =	vld [tilespmem:s14+$0xFFFFFFE0];
	[tilespmem:s11+$0x10] =	vst v9  }
0x91: {  	v9 =	vld [tilespmem:s14+$0xFFFFFFD0];
	[tilespmem:s11+$0x20] =	vst v6  }
0x92: {  	v6 =	vld [tilespmem:s14+$0x20];
	[tilespmem:s11+$0xFFFFFFF0] =	vst v11  }
0x93: {  	v17 =	vld [tilespmem:s14+$0x10];
	[tilespmem:s11+$0x30] =	vst v8;
	s11 =	smov.u32 s14  }
0x94: {  	v18 =	vld.idx.msk [tilespmem:v10+s24+$0x0], $0xffff  }
0x95: {  	v19 =	vld.idx.msk [tilespmem:v14+s24+$0x0], $0xffff  }
0x96: {  	v11 =	vld.idx.msk [tilespmem:v12+s24+$0x0], $0xffff  }
.Ltmp0:
0x97: {  	v8 =	vld.idx.msk [tilespmem:v16+s24+$0x0], $0xffff;
	(pc) =	sbr.rel @p1 .LBB2_4-.Ltmp0, $3  }
0x98: {  	v10 =	vld [tilespmem:s14+$0x30];
	_ =	sdelay $0x1  }
0x99: {  	v14 =	vmul.f32 v15, v18;
	v12 =	vmul.f32 v9, v18  }
0x9a: {  	v13 =	vmul.f32 v13, v19;
	v9 =	vmul.f32 v17, v19  }
0x9b: {  	[tilespmem:s11+$0xFFFFFFC0] =	vst v14  }
0x9c: {  	[tilespmem:s11+$0xFFFFFFD0] =	vst v12  }
0x9d: {  	v7 =	vmul.f32 v7, v11;
	[tilespmem:s11+$0x0] =	vst v13  }
0x9e: {  	v6 =	vmul.f32 v6, v8;
	[tilespmem:s11+$0x10] =	vst v9  }
0x9f: {  	v5 =	vmul.f32 v5, v11;
	[tilespmem:s11+$0xFFFFFFE0] =	vst v7  }
0xa0: {  	v7 =	vmul.f32 v10, v8;
	[tilespmem:s11+$0x20] =	vst v6  }
0xa1: {  	[tilespmem:s11+$0xFFFFFFF0] =	vst v5  }
0xa2: {  	s15 =	simm.s32 $0x0;
	[tilespmem:s11+$0x30] =	vst v7  }
0xa3: {  	[spmem:s3] =	stream.indirect.scatter.add.f32 [tilespmem:s23], [sflag:$0x5], $0x40, s15, s22, $0xb8;
	[tilespmem:$0x18740] =	vst v63  }
0xa4: {  	s10 =	sadd.s32 s10, s17;
	_ =	swait.ge [sflag:s31], $0x6400  }
0xa5: {  	s13 =	sshrl.u32 s10, $0x3;
	[sflag:s31] =	ssyncset.done $0x0  }
0xa6: {  	s14 =	sadd.s32 s6, s13;
	[sflag:s31] =	ssyncadd.s32 $0xFFFF9C00  }
0xa7: {  	[tilespmem:s21], [sflag:$0x7] =	stream.linear.gather [hbm4b:s14+s15], $0x190, $0x38;
	[tilespmem:$0x18740] =	vst v63  }
0xa8: {  	_ =	swait.ge [sflag:s20], $0x190  }
0xa9: {  	[sflag:s20] =	ssyncset.done $0x0  }
0xaa: {  	s13 =	sadd.s32 s7, s13;
	[sflag:s20] =	ssyncadd.s32 $0xFFFFFE70  }
0xab: {  	[tilespmem:s15], [sflag:$0x7] =	stream.linear.gather [hbm4b:s13+s15], $0x190, $0x38;
	[tilespmem:$0x18740] =	vst v63  }
0xac: {  	_ =	swait.ge [sflag:s20], $0x190  }
0xad: {  	[sflag:s20] =	ssyncset.done $0x0  }
0xae: {  	[sflag:s20] =	ssyncadd.s32 $0xFFFFFE70  }
0xaf: {  	v5 =	vld [tilespmem:$0x320]  }
0xb0: {  	v6 =	vld [tilespmem:$0x330]  }
0xb1: {  	v7 =	vld [tilespmem:$0x340]  }
0xb2: {  	v8 =	vld [tilespmem:$0x350]  }
0xb3: {  	v9 =	vld [tilespmem:$0x360]  }
0xb4: {  	v10 =	vld [tilespmem:$0x370];
	v5 =	vadd.s32 v4, v5  }
0xb5: {  	[tilespmem:$0x320] =	vst v5;
	v5 =	vadd.s32 v4, v6;
	v6 =	vld [tilespmem:$0x380]  }
0xb6: {  	[tilespmem:$0x330] =	vst v5;
	v5 =	vadd.s32 v4, v7;
	v7 =	vld [tilespmem:$0x390]  }
0xb7: {  	[tilespmem:$0x340] =	vst v5;
	v5 =	vadd.s32 v4, v8;
	v8 =	vld [tilespmem:$0x3A0]  }
0xb8: {  	[tilespmem:$0x350] =	vst v5;
	v5 =	vadd.s32 v4, v9;
	v9 =	vld [tilespmem:$0x3B0]  }
0xb9: {  	[tilespmem:$0x360] =	vst v5;
	v5 =	vadd.s32 v4, v10;
	v10 =	vld [tilespmem:$0x3C0]  }
0xba: {  	[tilespmem:$0x370] =	vst v5;
	v5 =	vadd.s32 v4, v6;
	v6 =	vld [tilespmem:$0x3D0]  }
0xbb: {  	[tilespmem:$0x380] =	vst v5;
	v5 =	vadd.s32 v4, v7;
	v7 =	vld [tilespmem:$0x3E0]  }
0xbc: {  	[tilespmem:$0x390] =	vst v5;
	v5 =	vadd.s32 v4, v8;
	v8 =	vld [tilespmem:$0x3F0]  }
0xbd: {  	[tilespmem:$0x3A0] =	vst v5;
	v5 =	vadd.s32 v4, v9;
	v9 =	vld [tilespmem:$0x400]  }
0xbe: {  	[tilespmem:$0x3B0] =	vst v5;
	v5 =	vadd.s32 v4, v10;
	v10 =	vld [tilespmem:$0x410]  }
0xbf: {  	[tilespmem:$0x3C0] =	vst v5;
	v5 =	vadd.s32 v4, v6;
	v6 =	vld [tilespmem:$0x420]  }
0xc0: {  	[tilespmem:$0x3D0] =	vst v5;
	v5 =	vadd.s32 v4, v7;
	v7 =	vld [tilespmem:$0x430]  }
0xc1: {  	[tilespmem:$0x3E0] =	vst v5;
	v5 =	vadd.s32 v4, v8;
	v8 =	vld [tilespmem:$0x440]  }
0xc2: {  	[tilespmem:$0x3F0] =	vst v5;
	v5 =	vadd.s32 v4, v9;
	v9 =	vld [tilespmem:$0x450]  }
0xc3: {  	[tilespmem:$0x400] =	vst v5;
	v5 =	vadd.s32 v4, v10;
	v10 =	vld [tilespmem:$0x460]  }
0xc4: {  	[tilespmem:$0x410] =	vst v5;
	v5 =	vadd.s32 v4, v6;
	v6 =	vld [tilespmem:$0x470]  }
0xc5: {  	[tilespmem:$0x420] =	vst v5;
	v5 =	vadd.s32 v4, v7;
	v7 =	vld [tilespmem:$0x480]  }
0xc6: {  	[tilespmem:$0x430] =	vst v5;
	v5 =	vadd.s32 v4, v8;
	v8 =	vld [tilespmem:$0x490]  }
0xc7: {  	[tilespmem:$0x440] =	vst v5;
	v5 =	vadd.s32 v4, v9;
	v9 =	vld [tilespmem:$0x4A0]  }
0xc8: {  	[tilespmem:$0x450] =	vst v5;
	v5 =	vadd.s32 v4, v10  }
0xc9: {  	[tilespmem:$0x460] =	vst v5;
	v5 =	vadd.s32 v4, v6  }
0xca: {  	[tilespmem:$0x470] =	vst v5;
	v5 =	vadd.s32 v4, v7  }
0xcb: {  	[tilespmem:$0x480] =	vst v5;
	v5 =	vadd.s32 v4, v8  }
0xcc: {  	[tilespmem:$0x490] =	vst v5;
	v5 =	vadd.s32 v4, v9  }
0xcd: {  	[tilespmem:$0x4A0] =	vst v5  }
0xce: {  	[tilespmem:s23], [sflag:$0x1] =	stream.indirect.gather [hbm4b:s2+s22], $0x40, s21, s22, $0xb8;
	[tilespmem:$0x18740] =	vst v63  }
0xcf: {  	s10 =	sadd.s32 s5, s10  }
0xd0: {  	[tilespmem:s24], [sflag:$0x3] =	stream.linear.gather [hbm4b:s10+s15], $0xC80, $0x38;
	[tilespmem:$0x18740] =	vst v63  }
0xd1: {  	_ =	swait.ge [sflag:s0], $0x6400  }
0xd2: {  	[sflag:s0] =	ssyncset.done $0x0  }
0xd3: {  	[sflag:s0] =	ssyncadd.s32 $0xFFFF9C00  }
0xd4: {  	_ =	swait.ge [sflag:s1], $0xC80  }
0xd5: {  	[sflag:s1] =	ssyncset.done $0x0  }
0xd6: {  	s10 =	simm.s32 $0x8380;
	s15 =	simm.s32 $0x0;
	[sflag:s1] =	ssyncadd.s32 $0xFFFFF380  }
0xd7: {  	v6 =	vor.u32 s15, v0;
	v5 =	vld [tilespmem:s10+$0xFFFFFFF0]  }
0xd8: {  	v7 =	vor.u32 s15, v2;
	v9 =	vld [tilespmem:s10+$0x0]  }
0xd9: {  	v10 =	vld [tilespmem:s10+$0xFFFFFFC0]  }
0xda: {  	v12 =	vld [tilespmem:s10+$0xFFFFFFD0]  }
0xdb: {  	v8 =	vor.u32 s15, v1;
	v15 =	vld [tilespmem:s10+$0x10]  }
0xdc: {  	v13 =	vor.u32 s15, v3;
	v16 =	vld.idx.msk [tilespmem:v6+s28+$0x0], $0xffff  }
0xdd: {  	v17 =	vld.idx.msk [tilespmem:v7+s28+$0x0], $0xffff  }
0xde: {  	v7 =	vld [tilespmem:s10+$0xFFFFFFE0]  }
0xdf: {  	v6 =	vld [tilespmem:s10+$0x20]  }
0xe0: {  	v11 =	vld.idx.msk [tilespmem:v8+s28+$0x0], $0xffff  }
0xe1: {  	v8 =	vld.idx.msk [tilespmem:v13+s28+$0x0], $0xffff  }
0xe2: {  	v14 =	vmul.f32 v10, v16;
	v10 =	vld [tilespmem:s10+$0x30]  }
0xe3: {  	v12 =	vmul.f32 v12, v16  }
0xe4: {  	s11 =	simm.s32 $0x1;
	s13 =	simm.s32 $0x8380;
	v13 =	vmul.f32 v9, v17;
	v9 =	vmul.f32 v15, v17  }
.LBB2_6:
0xe5: {  	p1 =	sne.s32 s11, $0xC7  }
0xe6: {  	[tilespmem:s10+$0xFFFFFFC0] =	vst v14;
	v7 =	vmul.f32 v7, v11;
	v11 =	vmul.f32 v5, v11;
	s13 =	sadd.s32 $0x80, s13;
	s14 =	smov.u32 s11;
	s11 =	sadd.s32 $0x1, s11  }
0xe7: {  	v6 =	vmul.f32 v6, v8;
	v5 =	vld [tilespmem:s13+$0xFFFFFFF0];
	[tilespmem:s10+$0x0] =	vst v13;
	v8 =	vmul.f32 v10, v8  }
0xe8: {  	s14 =	sshll.u32 s14, $0x4;
	v13 =	vld [tilespmem:s13+$0x0];
	[tilespmem:s10+$0xFFFFFFD0] =	vst v12  }
0xe9: {  	v10 =	vor.u32 s14, v0;
	v12 =	vor.u32 s14, v1;
	v14 =	vor.u32 s14, v2;
	v15 =	vld [tilespmem:s13+$0xFFFFFFC0];
	[tilespmem:s10+$0xFFFFFFE0] =	vst v7  }
0xea: {  	v16 =	vor.u32 s14, v3;
	v7 =	vld [tilespmem:s13+$0xFFFFFFE0];
	[tilespmem:s10+$0x10] =	vst v9  }
0xeb: {  	v9 =	vld [tilespmem:s13+$0xFFFFFFD0];
	[tilespmem:s10+$0x20] =	vst v6  }
0xec: {  	v6 =	vld [tilespmem:s13+$0x20];
	[tilespmem:s10+$0xFFFFFFF0] =	vst v11  }
0xed: {  	v17 =	vld [tilespmem:s13+$0x10];
	[tilespmem:s10+$0x30] =	vst v8;
	s10 =	smov.u32 s13  }
0xee: {  	v18 =	vld.idx.msk [tilespmem:v10+s28+$0x0], $0xffff  }
0xef: {  	v19 =	vld.idx.msk [tilespmem:v14+s28+$0x0], $0xffff  }
0xf0: {  	v11 =	vld.idx.msk [tilespmem:v12+s28+$0x0], $0xffff  }
.Ltmp1:
0xf1: {  	v8 =	vld.idx.msk [tilespmem:v16+s28+$0x0], $0xffff;
	(pc) =	sbr.rel @p1 .LBB2_6-.Ltmp1, $3  }
0xf2: {  	v10 =	vld [tilespmem:s13+$0x30];
	_ =	sdelay $0x1  }
0xf3: {  	v14 =	vmul.f32 v15, v18;
	v12 =	vmul.f32 v9, v18  }
0xf4: {  	v13 =	vmul.f32 v13, v19;
	v9 =	vmul.f32 v17, v19  }
0xf5: {  	[tilespmem:s10+$0xFFFFFFC0] =	vst v14  }
0xf6: {  	[tilespmem:s10+$0xFFFFFFD0] =	vst v12  }
0xf7: {  	v7 =	vmul.f32 v7, v11;
	s9 =	sadd.s32 $0x1, s9;
	[tilespmem:s10+$0x0] =	vst v13  }
0xf8: {  	v6 =	vmul.f32 v6, v8;
	[tilespmem:s10+$0x10] =	vst v9;
	p1 =	sne.s32 s9, $0xC  }
.Ltmp2:
0xf9: {  	v5 =	vmul.f32 v5, v11;
	[tilespmem:s10+$0xFFFFFFE0] =	vst v7;
	(pc) =	sbr.rel @p1 .LBB2_3-.Ltmp2, $4  }
0xfa: {  	v7 =	vmul.f32 v10, v8;
	[tilespmem:s10+$0x20] =	vst v6  }
0xfb: {  	[tilespmem:s10+$0xFFFFFFF0] =	vst v5  }
0xfc: {  	[tilespmem:s10+$0x30] =	vst v7  }
0xfd: {  	[spmem:s3] =	stream.indirect.scatter.add.f32 [tilespmem:s26], [sflag:$0x6], $0x40, s22, s22, $0xb8;
	[tilespmem:$0x18740] =	vst v63  }
0xfe: {  	_ =	swait.ge [sflag:s29], $0x6400  }
0xff: {  	[sflag:s29] =	ssyncset.done $0x0  }
0x100: {  	[sflag:s29] =	ssyncadd.s32 $0xFFFF9C00  }
0x101: {  	_ =	swait.ge [sflag:s30], $0xC80  }
0x102: {  	[sflag:s30] =	ssyncset.done $0x0  }
0x103: {  	s8 =	simm.s32 $0x1F80;
	s9 =	simm.s32 $0x0;
	[sflag:s30] =	ssyncadd.s32 $0xFFFFF380  }
0x104: {  	v5 =	vor.u32 s9, v0;
	v4 =	vld [tilespmem:s8+$0xFFFFFFF0]  }
0x105: {  	v6 =	vor.u32 s9, v2;
	v8 =	vld [tilespmem:s8+$0x0]  }
0x106: {  	v9 =	vld [tilespmem:s8+$0xFFFFFFC0]  }
0x107: {  	v11 =	vld [tilespmem:s8+$0xFFFFFFD0]  }
0x108: {  	v7 =	vor.u32 s9, v1;
	v14 =	vld [tilespmem:s8+$0x10]  }
0x109: {  	v12 =	vor.u32 s9, v3;
	v15 =	vld.idx.msk [tilespmem:v5+s24+$0x0], $0xffff  }
0x10a: {  	v16 =	vld.idx.msk [tilespmem:v6+s24+$0x0], $0xffff  }
0x10b: {  	v6 =	vld [tilespmem:s8+$0xFFFFFFE0]  }
0x10c: {  	v5 =	vld [tilespmem:s8+$0x20]  }
0x10d: {  	v10 =	vld.idx.msk [tilespmem:v7+s24+$0x0], $0xffff  }
0x10e: {  	v7 =	vld.idx.msk [tilespmem:v12+s24+$0x0], $0xffff  }
0x10f: {  	v13 =	vmul.f32 v9, v15;
	v9 =	vld [tilespmem:s8+$0x30]  }
0x110: {  	v11 =	vmul.f32 v11, v15  }
0x111: {  	s10 =	simm.s32 $0x1F80;
	s9 =	simm.s32 $0x1;
	v12 =	vmul.f32 v8, v16;
	v8 =	vmul.f32 v14, v16  }
.LBB2_9:
0x112: {  	p1 =	sne.s32 s9, $0xC7  }
0x113: {  	[tilespmem:s8+$0xFFFFFFC0] =	vst v13;
	v6 =	vmul.f32 v6, v10;
	v10 =	vmul.f32 v4, v10;
	s10 =	sadd.s32 $0x80, s10;
	s11 =	smov.u32 s9;
	s9 =	sadd.s32 $0x1, s9  }
0x114: {  	v5 =	vmul.f32 v5, v7;
	v4 =	vld [tilespmem:s10+$0xFFFFFFF0];
	[tilespmem:s8+$0x0] =	vst v12;
	v7 =	vmul.f32 v9, v7  }
0x115: {  	s11 =	sshll.u32 s11, $0x4;
	v12 =	vld [tilespmem:s10+$0x0];
	[tilespmem:s8+$0xFFFFFFD0] =	vst v11  }
0x116: {  	v9 =	vor.u32 s11, v0;
	v11 =	vor.u32 s11, v1;
	v13 =	vor.u32 s11, v2;
	v14 =	vld [tilespmem:s10+$0xFFFFFFC0];
	[tilespmem:s8+$0xFFFFFFE0] =	vst v6  }
0x117: {  	v15 =	vor.u32 s11, v3;
	v6 =	vld [tilespmem:s10+$0xFFFFFFE0];
	[tilespmem:s8+$0x10] =	vst v8  }
0x118: {  	v8 =	vld [tilespmem:s10+$0xFFFFFFD0];
	[tilespmem:s8+$0x20] =	vst v5  }
0x119: {  	v5 =	vld [tilespmem:s10+$0x20];
	[tilespmem:s8+$0xFFFFFFF0] =	vst v10  }
0x11a: {  	v16 =	vld [tilespmem:s10+$0x10];
	[tilespmem:s8+$0x30] =	vst v7;
	s8 =	smov.u32 s10  }
0x11b: {  	v17 =	vld.idx.msk [tilespmem:v9+s24+$0x0], $0xffff  }
0x11c: {  	v18 =	vld.idx.msk [tilespmem:v13+s24+$0x0], $0xffff  }
0x11d: {  	v10 =	vld.idx.msk [tilespmem:v11+s24+$0x0], $0xffff  }
.Ltmp3:
0x11e: {  	v7 =	vld.idx.msk [tilespmem:v15+s24+$0x0], $0xffff;
	(pc) =	sbr.rel @p1 .LBB2_9-.Ltmp3, $3  }
0x11f: {  	v9 =	vld [tilespmem:s10+$0x30];
	_ =	sdelay $0x1  }
0x120: {  	v13 =	vmul.f32 v14, v17;
	v11 =	vmul.f32 v8, v17  }
0x121: {  	v12 =	vmul.f32 v12, v18;
	v8 =	vmul.f32 v16, v18  }
0x122: {  	[tilespmem:s8+$0xFFFFFFC0] =	vst v13  }
0x123: {  	[tilespmem:s8+$0xFFFFFFD0] =	vst v11  }
0x124: {  	v0 =	vmul.f32 v6, v10;
	[tilespmem:s8+$0x0] =	vst v12  }
0x125: {  	v1 =	vmul.f32 v5, v7;
	[tilespmem:s8+$0x10] =	vst v8  }
0x126: {  	v63 =	vmul.f32 v4, v10;
	[tilespmem:s8+$0xFFFFFFE0] =	vst v0  }
0x127: {  	v2 =	vmul.f32 v9, v7;
	[tilespmem:s8+$0x20] =	vst v1  }
0x128: {  	[tilespmem:s8+$0xFFFFFFF0] =	vst v63  }
0x129: {  	s13 =	simm.s32 $0x0;
	[tilespmem:s8+$0x30] =	vst v2  }
0x12a: {  	[spmem:s3] =	stream.indirect.scatter.add.f32 [tilespmem:s23], [sflag:$0x5], $0x40, s13, s22, $0xb8;
	[tilespmem:$0x18740] =	vst v63  }
0x12b: {  	_ =	swait.ge [sflag:s18], $0x6400  }
0x12c: {  	[sflag:s18] =	ssyncset.done $0x0  }
0x12d: {  	[sflag:s18] =	ssyncadd.s32 $0xFFFF9C00  }
0x12e: {  	_ =	swait.ge [sflag:s31], $0x6400  }
0x12f: {  	s4 =	smul.u32 $0x2800, s4;
	[sflag:s31] =	ssyncset.done $0x0  }
0x130: {  	s14 =	rddreg [dreg:$0x6];
	[sflag:s31] =	ssyncadd.s32 $0xFFFF9C00  }
0x131: {  	s4 =	sadd.s32 s14, s4;
	[bflag:$0x0] =	sbarrier.arrive $0xFFFF  }
0x132: {  	s4 =	sshll.u32 s4, $0x3;
	s15 =	rddreg [dreg:$0x4]  }
0x133: {  	s4 =	sadd.s32 s15, s4  }
0x134: {  	[hbm:s4], [sflag:s12] =	dma.local [spmem:s19], $0x1400  }
.Ltmp4:
0x135: {  	_ =	swait.ge [sflag:s20], $0x1400;
	(pc) =	sbr.rel @p0 .LBB2_2-.Ltmp4, $4  }
0x136: {  	[sflag:s20] =	ssyncset.done $0x0  }
0x137: {  	[sflag:s20] =	ssyncadd.s32 $0xFFFFEC00  }
0x138: {  	[bflag:$0x0] =	sbarrier.arrive $0xFFFF  }
0x139: {  	p1 =	por $0x0, $0x0;
	s4 =	simm.s32 $0x1  }
0x13a: {  	s8 =	rddreg [dreg:$0xc]  }
0x13b: {  	s4 =	rddreg [dreg:$0xb];
	s8 =	sadd.s32 $0x1, s8  }
0x13c: {  	p0 =	sne.s32 s8, s4  }
.Ltmp5:
0x13d: {  	_ = 	snop;
	(pc) =	sbr.rel @p0 .LBB2_1-.Ltmp5, $1  }
0x13e: {  	_ =	sdelay $0x3  }
0x13f: {  	_ =	sfence.sel $0x180000  }
0x140: {  	[bflag:$0x0] =	sbarrier.arrive $0xFFFF  }
0x141: {  	_ =	strace $0x9000004D  }
0x142: {  	s0 =	stileid.u32;
	[bflag:$0x2] =	sbarrier.arrive $0xFFFF  }
0x143: {  	p0 =	sne.s32 s0, $0x0;
	s0 =	rddreg [dreg:$0x3]  }
0x144: {  	s0 =	sadd.s32 @!p0 $0x100000, s0  }
0x145: {  	[sflag:s0] =	ssyncadd.tile.s32 @!p0 $0x1;
	_ =	shalt  }
.Lfunc_end2:
_tile_overlayer_lowered:
.L_overlay_start_2:
0x146: {  	(tag) =	ssettag $0x2  }
0x147: {  	s0 =	rddreg [dreg:$0x0];
	s2 =	stileid.u32  }
0x148: {  	s1 =	rddreg [dreg:$0x1];
	p0 =	sne.s32 s2, $0x0  }
0x149: {  	s3 =	rddreg [dreg:$0x2];
	[bflag:$0x3] =	sbarrier.arrive $0xFFFF;
	s2 =	simm.s32 @!p0 $0x1C07  }
0x14a: {  	[timem:s3], [sflag:s2] =	dma.local @!p0 [hbm:s0], s1  }
0x14b: {  	s0 =	simm.s32 @!p0 $0x7  }
0x14c: {  	_ =	swait.ge @!p0 [sflag:s0], s1  }
0x14d: {  	s1 =	ssub.s32 @!p0 $0x0, s1;
	[sflag:s0] =	ssyncset.done @!p0 $0x0  }
0x14e: {  	[sflag:s0] =	ssyncadd.s32 @!p0 s1  }
0x14f: {  	[bflag:$0x3] =	sbarrier.arrive $0xFFFF  }
0x150: {  	_ =	shalt  }

// kernel: kernel.6.cloned.1.call-start
scs
__scs_entry_jumppad:
0x0: {  	(pc) =	sbr.rel $0x88, $3  }
0x1: {  	(tag) =	ssettag $0x0;
	lr =	simm.s32 $0x1  }
0x2: {  	[smem:$0x3F98] =	sst lr;
	_ =	strace $0xD0000000  }
0x3: {  	_ = 	snop  }
0x4: {  	_ = 	snop  }
0x5: {  	_ = 	snop  }
0x6: {  	_ = 	snop  }
0x7: {  	_ = 	snop  }
__scs_overlays_trampoline_lowered:
0x8: {  	[smem:$0x3FA7] =	sst s0  }
0x9: {  	[smem:$0x3FA8] =	sst s1  }
0xa: {  	[smem:$0x3FA9] =	sst s2  }
0xb: {  	[smem:$0x3FAA] =	sst s3  }
0xc: {  	[smem:$0x3FAB] =	sst s4  }
0xd: {  	[smem:$0x3FAC] =	sst s5  }
0xe: {  	[smem:$0x3FAD] =	sst s6  }
0xf: {  	[smem:$0x3FAE] =	sst s7  }
0x10: {  	[smem:$0x3FAF] =	sst s8  }
0x11: {  	[smem:$0x3FB0] =	sst s9;
	s0 =	simm.s32 @!p0 $0x0  }
0x12: {  	s1 =	sld [smem:$0x3F96];
	s0 =	simm.s32 @p0 $0x1  }
0x13: {  	[smem:$0x3FB1] =	sst s0;
	s0 =	simm.s32 @!p1 $0x0  }
0x14: {  	s2 =	sld [smem:$0x3F95];
	s0 =	simm.s32 @p1 $0x1  }
0x15: {  	[smem:$0x3FB2] =	sst s0;
	s0 =	simm.s32 @!p2 $0x0  }
0x16: {  	s3 =	sld [smem:$0x3FDB];
	s0 =	simm.s32 @p2 $0x1  }
0x17: {  	s4 =	simm.s32 $0x1BF5;
	[smem:$0x3FB4] =	sst s0  }
0x18: {  	s0 =	sld [smem:$0x3F97];
	_ =	swait.ge [sflag:s4], $0x0  }
0x19: {  	s7 =	sld [smem:$0x3F98]  }
0x1a: {  	s8 =	sadd.s32 $0xFFFFE003, lr  }
0x1b: {  	s9 =	sadd.s32 $0xFFFFFEF7, lr;
	s5 =	simm.s32 $0xFFFFFFFF;
	p2 =	slt.u32 s8, $0xFFFFF086  }
0x1c: {  	p1 =	slt.u32 s9, $0xF7A;
	s5 =	simm.s32 @!p2 $0x0  }
0x1d: {  	s5 =	simm.s32 @p1 $0x1;
	p0 =	seq.s32 s7, s2  }
0x1e: {  	s7 =	smul.u32 @!p0 $0xF7A, s2;
	p2 =	seq.s32 @!p0 s5, $0x0  }
0x1f: {  	s9 =	smul.u32 $0xF7A, s1;
	s8 =	simm.s32 @!p0 $0x1BF5;
	p2 =	por !p2, p0  }
0x20: {  	[sflag:s8] =	ssyncset.s32 @!p0 $0xFFFFF086;
	s6 =	sadd.s32 @!p0 s3, s7;
	s7 =	simm.s32 @!p0 $0x108  }
0x21: {  	s3 =	sadd.s32 s3, s9;
	s6 =	sadd.s32 @!p0 $0x88, s6;
	s7 =	simm.s32 @p2 $0x1082  }
0x22: {  	[simem:s7], [sflag:s8] =	dma.local @!p0 [hbm:s6], $0xF7A  }
0x23: {  	s9 =	sor.u32 $0xD0000000, s2;
	s6 =	simm.s32 $0x108;
	_ =	swait.ge @!p0 [sflag:s8], $0x0  }
0x24: {  	s3 =	sadd.s32 $0x88, s3;
	s6 =	simm.s32 @!p1 $0x1082;
	[sflag:s4] =	ssyncset.s32 $0xFFFFF086  }
0x25: {  	[simem:s6], [sflag:s4] =	dma.local [hbm:s3], $0xF7A  }
0x26: {  	[smem:$0x3F98] =	sst s1;
	(tag) =	ssettag s2;
	_ =	strace s9  }
0x27: {  	s1 =	sld [smem:$0x3FA8]  }
0x28: {  	s2 =	sld [smem:$0x3FA9]  }
0x29: {  	s4 =	sld [smem:$0x3FAB]  }
0x2a: {  	p0 =	seq.s32 s5, $0x0;
	s5 =	sld [smem:$0x3FAC]  }
0x2b: {  	s6 =	sld [smem:$0x3FAD]  }
0x2c: {  	s7 =	sld [smem:$0x3FAE]  }
0x2d: {  	s3 =	simm.s32 $0x108;
	s8 =	sld [smem:$0x3FAF]  }
0x2e: {  	s3 =	simm.s32 @!p0 $0x1082;
	s9 =	sld [smem:$0x3FB0]  }
0x2f: {  	lr =	sadd.s32 s0, s3;
	s0 =	sld [smem:$0x3FA7]  }
0x30: {  	s3 =	sld [smem:$0x3FAA]  }
0x31: {  	[smem:$0x3FB3] =	sst s10  }
0x32: {  	s10 =	sld [smem:$0x3FB1];
	_ =	sdelay $0x3  }
0x33: {  	p0 =	seq.s32 s10, $0x1;
	s10 =	sld [smem:$0x3FB3];
	_ =	sdelay $0x3  }
0x34: {  	[smem:$0x3FB3] =	sst s10  }
0x35: {  	s10 =	sld [smem:$0x3FB2];
	_ =	sdelay $0x3  }
0x36: {  	p1 =	seq.s32 s10, $0x1;
	s10 =	sld [smem:$0x3FB3];
	_ =	sdelay $0x3  }
0x37: {  	[smem:$0x3FB3] =	sst s10  }
0x38: {  	s10 =	sld [smem:$0x3FB4]  }
0x39: {  	_ = 	snop;
	(pc) =	sbr.ind lr, $3  }
0x3a: {  	_ = 	snop  }
0x3b: {  	_ = 	snop  }
0x3c: {  	p2 =	seq.s32 s10, $0x1;
	s10 =	sld [smem:$0x3FB3]  }
0x3d: {  	_ =	shalt  }
0x3e: {  	_ =	shalt  }
0x3f: {  	_ =	shalt  }
0x40: {  	_ =	shalt  }
0x41: {  	_ =	shalt  }
0x42: {  	_ =	shalt  }
0x43: {  	_ =	shalt  }
0x44: {  	_ =	shalt  }
0x45: {  	_ =	shalt  }
0x46: {  	_ =	shalt  }
0x47: {  	_ =	shalt  }
0x48: {  	_ =	shalt  }
0x49: {  	_ =	shalt  }
0x4a: {  	_ =	shalt  }
0x4b: {  	_ =	shalt  }
0x4c: {  	_ =	shalt  }
0x4d: {  	_ =	shalt  }
0x4e: {  	_ =	shalt  }
0x4f: {  	_ =	shalt  }
0x50: {  	_ =	shalt  }
0x51: {  	_ =	shalt  }
0x52: {  	_ =	shalt  }
0x53: {  	_ =	shalt  }
0x54: {  	_ =	shalt  }
0x55: {  	_ =	shalt  }
0x56: {  	_ =	shalt  }
0x57: {  	_ =	shalt  }
0x58: {  	_ =	shalt  }
0x59: {  	_ =	shalt  }
0x5a: {  	_ =	shalt  }
0x5b: {  	_ =	shalt  }
0x5c: {  	_ =	shalt  }
0x5d: {  	_ =	shalt  }
0x5e: {  	_ =	shalt  }
0x5f: {  	_ =	shalt  }
0x60: {  	_ =	shalt  }
0x61: {  	_ =	shalt  }
0x62: {  	_ =	shalt  }
0x63: {  	_ =	shalt  }
0x64: {  	_ =	shalt  }
0x65: {  	_ =	shalt  }
0x66: {  	_ =	shalt  }
0x67: {  	_ =	shalt  }
0x68: {  	_ =	shalt  }
0x69: {  	_ =	shalt  }
0x6a: {  	_ =	shalt  }
0x6b: {  	_ =	shalt  }
0x6c: {  	_ =	shalt  }
0x6d: {  	_ =	shalt  }
0x6e: {  	_ =	shalt  }
0x6f: {  	_ =	shalt  }
0x70: {  	_ =	shalt  }
0x71: {  	_ =	shalt  }
0x72: {  	_ =	shalt  }
0x73: {  	_ =	shalt  }
0x74: {  	_ =	shalt  }
0x75: {  	_ =	shalt  }
0x76: {  	_ =	shalt  }
0x77: {  	_ =	shalt  }
0x78: {  	_ =	shalt  }
0x79: {  	_ =	shalt  }
0x7a: {  	_ =	shalt  }
0x7b: {  	_ =	shalt  }
0x7c: {  	_ =	shalt  }
0x7d: {  	_ =	shalt  }
0x7e: {  	_ =	shalt  }
0x7f: {  	_ =	shalt  }
0x80: {  	_ =	shalt  }
0x81: {  	_ =	shalt  }
0x82: {  	_ =	shalt  }
0x83: {  	_ =	shalt  }
0x84: {  	_ =	shalt  }
0x85: {  	_ =	shalt  }
0x86: {  	_ =	shalt  }
0x87: {  	_ =	shalt  }
.Lfunc_end0:
.L_simem_size_0:
called_computation_lowered:
.L_overlay_start_0:
0x88: {  	s2 =	sld [smem:$0x3FD9]  }
0x89: {  	s3 =	sld [smem:$0x3FFE];
	_ =	sdelay $0x1  }
0x8a: {  	s1 =	srdreg.scid  }
0x8b: {  	s0 =	sand.u32 $0x1, s1  }
0x8c: {  	s14 =	sshll.u32 s0, $0xA;
	s2 =	sadd.s32 s3, s2  }
0x8d: {  	s2 =	sadd.s32 s2, s14  }
0x8e: {  	[smem:$0x3FBF] =	sst s2  }
0x8f: {  	_ = 	snop  }
0x90: {  	s2 =	sld [smem:$0x3FD0];
	_ =	sdelay $0x2  }
0x91: {  	s4 =	simm.s32 $0xA;
	s5 =	simm.s32 $0x10;
	s15 =	sld [smem:$0x3FC7]  }
0x92: {  	[smem:s5], [sflag:s4] =	dma.local [hbm:s2], $0x1  }
0x93: {  	_ =	swait.eq [sflag:s4], $0x1  }
0x94: {  	[sflag:s4] =	ssyncset.done $0x0  }
0x95: {  	s16 =	sld [smem:$0x10];
	[sflag:s4] =	ssyncadd.s32 $0xFFFFFFFF  }
0x96: {  	s17 =	sld [smem:$0x11];
	(tm) =	ssettm $0x1  }
0x97: {  	s18 =	sld [smem:$0x3FFB];
	_ =	sdelay $0x3  }
0x98: {  	_ =	strace s18  }
0x99: {  	s5 =	sld [smem:$0x3FFC];
	_ =	sdelay $0x3  }
0x9a: {  	_ =	strace s5  }
0x9b: {  	s5 =	sld [smem:$0x3FFD];
	_ =	sdelay $0x3  }
0x9c: {  	_ =	strace s5  }
0x9d: {  	_ =	strace $0x8FFFFFFF  }
0x9e: {  	s19 =	sld [smem:$0x3FDB];
	_ =	sdelay $0x1  }
0x9f: {  	s6 =	simm.s32 $_scs_section_size  }
0xa0: {  	s7 =	simm.s32 $_size__tile_overlayer_lowered;
	s8 =	simm.s32 $_tile_overlayer_lowered  }
0xa1: {  	s22 =	simm.s32 $0x1BFF;
	s21 =	sshll.u32 s8, $0x1;
	s5 =	sadd.s32 s6, s19  }
0xa2: {  	s9 =	simm.s32 $0x0;
	s20 =	sshll.u32 s7, $0x1;
	s7 =	sadd.s32 s21, s5  }
0xa3: {  	[timem:s9], [sflag:s22] =	dma.local [hbm:s7], s20  }
0xa4: {  	_ =	swait.ge [sflag:s22], s20  }
0xa5: {  	s6 =	ssub.s32 $0x0, s20;
	[sflag:s22] =	ssyncset.done $0x0  }
0xa6: {  	[sflag:s22] =	ssyncadd.s32 s6;
	_ =	sdelay $0x1  }
0xa7: {  	s23 =	simm.s32 $0x1B8B  }
0xa8: {  	_ =	swait.ge [sflag:s23], $0x1  }
0xa9: {  	[sflag:s23] =	ssyncset.done $0x0  }
0xaa: {  	s25 =	simm.s32 $0x1B8E;
	s24 =	sld [smem:$0x3FFE];
	[sflag:s23] =	ssyncadd.s32 $0xFFFFFFFF  }
0xab: {  	s26 =	simm.s32 $execute0_lowered;
	[smem:$0x3FD2] =	sst s25  }
0xac: {  	s7 =	sshll.u32 s26, $0x1;
	_ =	strace $0x80000046;
	[dreg:$0x1] =	wrdreg $0xFFFFFFFF  }
0xad: {  	s28 =	simm.s32 $_size_execute0_lowered;
	s5 =	sadd.s32 s5, s7;
	[dreg:$0x0] =	wrdreg $0x0  }
0xae: {  	s7 =	sshll.u32 s28, $0x1;
	[dreg:$0x2] =	wrdreg s5  }
0xaf: {  	[dreg:$0x3] =	wrdreg s7  }
0xb0: {  	[dreg:$0x4] =	wrdreg $0xC0  }
0xb1: {  	_ =	task [dreg:s9], $0x5FFFF  }
0xb2: {  	[dreg:$0x1] =	wrdreg $0xFFFFFFFF  }
0xb3: {  	[dreg:$0x0] =	wrdreg $0x60  }
0xb4: {  	[dreg:$0x2] =	wrdreg s16  }
0xb5: {  	[dreg:$0x3] =	wrdreg s24  }
0xb6: {  	[dreg:$0x4] =	wrdreg s15  }
0xb7: {  	[dreg:$0x5] =	wrdreg s17  }
0xb8: {  	[dreg:$0x6] =	wrdreg $0x105B80  }
0xb9: {  	[dreg:$0x7] =	wrdreg $0x12DB80  }
0xba: {  	[dreg:$0x8] =	wrdreg $0x155B80  }
0xbb: {  	[dreg:$0x9] =	wrdreg $0x17DB80  }
0xbc: {  	[dreg:$0xa] =	wrdreg $0x9  }
0xbd: {  	_ =	task.clear_ibuf [dreg:s9], $0xBFFFF;
	_ =	strace $0x90000046  }
0xbe: {  	s29 =	simm.s32 $0x9;
	_ =	strace $0x80000048  }
0xbf: {  	_ =	swait.ge [sflag:s29], $0x1  }
0xc0: {  	[sflag:s29] =	ssyncadd.s32 $0xFFFFFFFF  }
0xc1: {  	_ =	strace $0x90000048  }
0xc2: {  	_ =	sfence  }
0xc3: {  	s30 =	sld [smem:$0x0];
	_ =	sdelay $0x2  }
0xc4: {  	s31 =	sshll.u32 s1, $0xD;
	s1 =	sshrl.u32 s1, $0x2  }
0xc5: {  	s3 =	sand.u32 $0x4000, s31;
	s1 =	sadd.s32 s1, s30  }
0xc6: {  	s0 =	sor.u32 s3, s0;
	s1 =	sshll.u32 s1, $0x11  }
0xc7: {  	s0 =	sor.u32 s1, s0  }
0xc8: {  	s0 =	sadd.s32 $0x8F2B, s0  }
0xc9: {  	[sflag:s0] =	ssyncadd.remote.s32 $0x1  }
0xca: {  	_ =	sfence.sel $0xFFFF  }
0xcb: {  	[dreg:$0x0] =	wrdreg $0xFFFFFFFF;
	(pc) =	sbr.abs _section_cstart, $3  }
0xcc: {  	[dreg:$0x1] =	wrdreg $0xFFFFFFFF  }
0xcd: {  	_ =	task.clear_ibuf [dreg:s9], $0x2FFFF;
	_ =	strace $0x9FFFFFFF  }
0xce: {  	(tm) =	ssettm $0x7FFFFFFF  }
0xcf: {  	_ =	shalt  }
tec
execute0_lowered:
.L_overlay_start_1:
0x0: {  	(tag) =	ssettag $0x1  }
0x1: {  	s1 =	rddreg [dreg:$0x0]  }
0x2: {  	s2 =	rddreg [dreg:$0x1]  }
0x3: {  	s0 =	rddreg [dreg:$0x2]  }
0x4: {  	s8 =	rddreg [dreg:$0x3]  }
0x5: {  	s3 =	rddreg [dreg:$0x4]  }
0x6: {  	s4 =	rddreg [dreg:$0x5]  }
0x7: {  	s5 =	rddreg [dreg:$0x6]  }
0x8: {  	s6 =	rddreg [dreg:$0x7]  }
0x9: {  	s19 =	stileid.u32;
	s7 =	simm.s32 $0x0;
	s9 =	srdreg.scid  }
0xa: {  	s28 =	simm.s32 $0xBB8;
	s29 =	simm.s32 $0x4A38;
	s30 =	simm.s32 $0x88B8  }
0xb: {  	s31 =	simm.s32 $0x1;
	s12 =	smul.u32 $0x2800, s19;
	[smem:$0x7FF] =	sst s7  }
0xc: {  	s10 =	sadd.s32 $0xB400, s2;
	s13 =	sand.u32 $0x1, s9;
	s9 =	sadd.s32 $0x6400, s2  }
0xd: {  	s11 =	sadd.s32 $0x15600, s2;
	s26 =	smul.u32 $0x500, s19;
	_ =	strace $0x80000047  }
0xe: {  	[dreg:$0x9] =	wrdreg s10;
	s10 =	sadd.s32 $0x1400, s2;
	s16 =	ssub.s32 $0x2, s13  }
0xf: {  	s17 =	sshll.u32 s13, $0x4;
	s20 =	smul.u32 $0x5000, s13;
	s14 =	sshrl.u32 s12, $0x3  }
0x10: {  	s25 =	sshrl.u32 s16, $0x1;
	s18 =	sadd.s32 s12, s3;
	s21 =	sadd.s32 s12, s4  }
0x11: {  	s23 =	sadd.s32 s12, s5;
	s15 =	sadd.s32 s14, s2;
	s2 =	ssub.s32 s16, s25  }
0x12: {  	s16 =	sor.u32 s19, s17;
	s19 =	sshll.u32 s19, $0x6;
	s1 =	sadd.s32 s1, s14  }
0x13: {  	s24 =	sadd.s32 s26, s20;
	s26 =	sshrl.u32 s21, $0x3;
	[dreg:$0xb] =	wrdreg s1  }
0x14: {  	s20 =	simm.s32 $0x3;
	s22 =	sadd.s32 $0x10600, s15;
	[dreg:$0xf] =	wrdreg s26  }
0x15: {  	s13 =	sor.u32 $0x1C03, s19;
	s25 =	sadd.s32 $0xB600, s15;
	[dreg:$0xa] =	wrdreg s22  }
0x16: {  	s16 =	smul.u32 $0x1388, s16;
	s8 =	sadd.s32 s8, s24;
	[dreg:$0xc] =	wrdreg s25  }
0x17: {  	s2 =	smax.u32 s2, $0x1;
	s19 =	sshrl.u32 s18, $0x3;
	[dreg:$0xd] =	wrdreg s8  }
0x18: {  	s1 =	sshrl.u32 s23, $0x3;
	s23 =	sshrl.u32 s6, $0x3;
	[dreg:$0xe] =	wrdreg s2  }
0x19: {  	s24 =	simm.s32 $0x3E8;
	s26 =	simm.s32 $0x2;
	[dreg:$0x10] =	wrdreg s1  }
0x1a: {  	s25 =	simm.s32 $0x7D0;
	s1 =	simm.s32 $0xC738;
	s2 =	simm.s32 $0x0  }
.LBB2_1:
0x1b: {  	s8 =	rddreg [dreg:$0xa]  }
0x1c: {  	[spmem:s19], [sflag:s13] =	dma.local [hbm:s8], $0x500  }
0x1d: {  	_ =	swait.ge [sflag:s20], $0x500  }
0x1e: {  	[sflag:s20] =	ssyncset.done $0x0;
	s17 =	rddreg [dreg:$0xb]  }
0x1f: {  	s12 =	rddreg [dreg:$0xf];
	[sflag:s20] =	ssyncadd.s32 $0xFFFFFB00  }
0x20: {  	[spmem:s12], [sflag:s13] =	dma.local [hbm:s17], $0x500  }
0x21: {  	_ =	swait.ge [sflag:s20], $0x500  }
0x22: {  	[sflag:s20] =	ssyncset.done $0x0;
	s18 =	rddreg [dreg:$0xc]  }
0x23: {  	s21 =	rddreg [dreg:$0x10];
	[sflag:s20] =	ssyncadd.s32 $0xFFFFFB00  }
0x24: {  	[spmem:s21], [sflag:s13] =	dma.local [hbm:s18], $0x500  }
0x25: {  	_ =	swait.ge [sflag:s20], $0x500  }
0x26: {  	[sflag:s20] =	ssyncset.done $0x0  }
0x27: {  	s22 =	rddreg [dreg:$0x9];
	[sflag:s20] =	ssyncadd.s32 $0xFFFFFB00  }
0x28: {  	[spmem:s23], [sflag:s13] =	dma.local [hbm:s22], $0x10  }
0x29: {  	_ =	swait.ge [sflag:s20], $0x10  }
0x2a: {  	[sflag:s20] =	ssyncset.done $0x0  }
0x2b: {  	[sflag:s20] =	ssyncadd.s32 $0xFFFFFFF0  }
0x2c: {  	s8 =	simm.s32 $0x0;
	[bflag:$0x0] =	sbarrier.arrive $0xFFFF  }
.LBB2_2:
0x2d: {  	s12 =	smul.u32 $0x3E8, s8;
	_ =	sdelay $0x1  }
0x2e: {  	s12 =	sadd.s32 s16, s12  }
0x2f: {  	s14 =	sshrl.u32 s12, $0x3  }
0x30: {  	s17 =	simm.s32 $0x0;
	s15 =	sadd.s32 s9, s14  }
0x31: {  	[tilespmem:s17], [sflag:$0x2] =	stream.linear.gather [hbm4b:s15+s17], $0x3E8, $0x38;
	[tilespmem:$0x17DC0] =	vst v63  }
0x32: {  	s22 =	sadd.s32 s10, s14  }
0x33: {  	[tilespmem:s24], [sflag:$0x2] =	stream.linear.gather [hbm4b:s22+s17], $0x3E8, $0x38;
	[tilespmem:$0x17DC0] =	vst v63  }
0x34: {  	s14 =	sadd.s32 s0, s14  }
0x35: {  	[tilespmem:s25], [sflag:$0x2] =	stream.linear.gather [hbm4b:s14+s17], $0x3E8, $0x38;
	[tilespmem:$0x17DC0] =	vst v63  }
0x36: {  	_ =	swait.ge [sflag:s26], $0x3E8  }
0x37: {  	[sflag:s26] =	ssyncset.done $0x0  }
0x38: {  	[sflag:s26] =	ssyncadd.s32 $0xFFFFFC18  }
0x39: {  	_ =	swait.ge [sflag:s26], $0x3E8  }
0x3a: {  	[sflag:s26] =	ssyncset.done $0x0  }
0x3b: {  	[sflag:s26] =	ssyncadd.s32 $0xFFFFFC18  }
0x3c: {  	_ =	swait.ge [sflag:s26], $0x3E8  }
0x3d: {  	[sflag:s26] =	ssyncset.done $0x0  }
0x3e: {  	[sflag:s26] =	ssyncadd.s32 $0xFFFFFC18  }
0x3f: {  	[tilespmem:s28], [sflag:$0x1] =	stream.indirect.gather [spmem:s4], $0x10, s17, s24, $0xb8;
	[tilespmem:$0x17DC0] =	vst v63  }
0x40: {  	_ = 	snop  }
0x41: {  	[tilespmem:s29], [sflag:$0x1] =	stream.indirect.gather [spmem:s5], $0x10, s24, s24, $0xb8;
	[tilespmem:$0x17DC0] =	vst v63  }
0x42: {  	_ = 	snop  }
0x43: {  	[tilespmem:s30], [sflag:$0x1] =	stream.indirect.gather [spmem:s6], $0x10, s25, s24, $0xb8;
	[tilespmem:$0x17DC0] =	vst v63  }
0x44: {  	_ =	swait.ge [sflag:s31], $0x3E80  }
0x45: {  	[sflag:s31] =	ssyncset.done $0x0  }
0x46: {  	[sflag:s31] =	ssyncadd.s32 $0xFFFFC180  }
0x47: {  	_ =	swait.ge [sflag:s31], $0x3E80  }
0x48: {  	[sflag:s31] =	ssyncset.done $0x0  }
0x49: {  	[sflag:s31] =	ssyncadd.s32 $0xFFFFC180  }
0x4a: {  	_ =	swait.ge [sflag:s31], $0x3E80  }
0x4b: {  	[sflag:s31] =	ssyncset.done $0x0  }
0x4c: {  	s14 =	simm.s32 $0x0;
	[sflag:s31] =	ssyncadd.s32 $0xFFFFC180  }
0x4d: {  	v0 =	vld [tilespmem:s14+$0xBB8]  }
0x4e: {  	s15 =	simm.s32 $0x10;
	v1 =	vld [tilespmem:s14+$0x4A38]  }
0x4f: {  	v2 =	vld [tilespmem:s15+$0xBB8]  }
0x50: {  	v3 =	vld [tilespmem:s15+$0x4A38]  }
0x51: {  	v4 =	vld [tilespmem:s14+$0x88B8];
	_ =	sdelay $0x1  }
0x52: {  	v5 =	vld [tilespmem:s15+$0x88B8]  }
0x53: {  	s17 =	simm.s32 $0x20;
	v0 =	vadd.f32 v1, v0  }
0x54: {  	v1 =	vld [tilespmem:s17+$0xBB8]  }
0x55: {  	v2 =	vadd.f32 v3, v2;
	v3 =	vld [tilespmem:s17+$0x4A38];
	v0 =	vadd.f32 v4, v0;
	_ =	sdelay $0x1  }
0x56: {  	v2 =	vadd.f32 v5, v2;
	v5 =	vmul.f32 $2.000000030e-01, v0  }
0x57: {  	vm0 =	vgt.f32 v0, $0.0e+00  }
0x58: {  	v0 =	vsel vm0, v0, v5  }
0x59: {  	v1 =	vadd.f32 v3, v1;
	v3 =	vmul.f32 $1.442695020e+00, v0  }
0x5a: {  	v6 =	vmul.f32 $2.000000030e-01, v2  }
0x5b: {  	v4 =	vld [tilespmem:s17+$0x88B8];
	vm15 =	vgt.f32 v2, $0.0e+00;
	(erf) = vpow2.f32 v3  }
0x5c: {  	v2 =	vsel vm15, v2, v6  }
0x5d: {  	s18 =	simm.s32 $0x30;
	v5 =	vmul.f32 $1.442695020e+00, v2  }
0x5e: {  	v0 =	vld [tilespmem:s18+$0xBB8]  }
0x5f: {  	v3 =	vld [tilespmem:s18+$0x4A38];
	(erf) = vpow2.f32 v5  }
0x60: {  	v1 =	vadd.f32 v4, v1  }
0x61: {  	v2 =	vld [tilespmem:s18+$0x88B8]  }
0x62: {  	s21 =	simm.s32 $0x100;
	v4 =	vmul.f32 $2.000000030e-01, v1  }
.LBB2_3:
0x63: {  	s22 =	sshra.s32 s21, $0x2;
	vm0 =	vgt.f32 v1, $0.0e+00;
	p0 =	sne.s32 s21, $0xF9C0  }
.Ltmp0:
0x64: {  	s21 =	sadd.s32 $0x40, s21;
	v5 =	vadd.f32 v3, v0;
	v0 =	vld [tilespmem:s22+$0xBB8];
	v1 =	vsel vm0, v1, v4;
	v4 =	vpop (erf);
	(pc) =	sbr.rel @p0 .LBB2_3-.Ltmp0, $4  }
0x65: {  	v3 =	vld [tilespmem:s22+$0x4A38];
	v6 =	vmul.f32 $1.442695020e+00, v1;
	[tilespmem:s14+$0xC738] =	vst v4;
	s14 =	smov.u32 s15;
	s15 =	smov.u32 s17;
	s17 =	smov.u32 s18  }
0x66: {  	s18 =	smov.u32 s22;
	v1 =	vadd.f32 v2, v5  }
0x67: {  	v2 =	vld [tilespmem:s18+$0x88B8];
	(erf) = vpow2.f32 v6  }
0x68: {  	v4 =	vmul.f32 $2.000000030e-01, v1  }
0x69: {  	_ = 	snop  }
0x6a: {  	v0 =	vadd.f32 v3, v0;
	_ =	sdelay $0x1  }
0x6b: {  	v0 =	vadd.f32 v2, v0;
	_ =	sdelay $0x1  }
0x6c: {  	vm0 =	vgt.f32 v1, $0.0e+00;
	v2 =	vmul.f32 $2.000000030e-01, v0  }
0x6d: {  	v1 =	vsel vm0, v1, v4;
	vm15 =	vgt.f32 v0, $0.0e+00  }
0x6e: {  	v1 =	vmul.f32 $1.442695020e+00, v1;
	v0 =	vsel vm15, v0, v2  }
0x6f: {  	v0 =	vmul.f32 $1.442695020e+00, v0  }
0x70: {  	(erf) = vpow2.f32 v1  }
0x71: {  	(erf) = vpow2.f32 v0;
	_ =	sdelay $0x5  }
0x72: {  	v60 =	vpop (erf)  }
0x73: {  	[tilespmem:s14+$0xC738] =	vst v60;
	v61 =	vpop (erf)  }
0x74: {  	[tilespmem:s15+$0xC738] =	vst v61;
	v62 =	vpop (erf)  }
0x75: {  	s12 =	sshll.u32 s12, $0x1;
	[tilespmem:s17+$0xC738] =	vst v62;
	v63 =	vpop (erf)  }
0x76: {  	s12 =	sadd.s32 s11, s12;
	[tilespmem:s18+$0xC738] =	vst v63  }
0x77: {  	[hbm4b:s12+s7] =	stream.linear.scatter [tilespmem:s1], [sflag:$0x3], $0x3E80, $0x38;
	[tilespmem:$0x17DC0] =	vst v63  }
0x78: {  	s8 =	sadd.s32 $0x1, s8;
	_ =	swait.ge [sflag:s20], $0x3E80  }
0x79: {  	p0 =	sne.s32 s8, $0x5;
	[sflag:s20] =	ssyncset.done $0x0  }
.Ltmp1:
0x7a: {  	[sflag:s20] =	ssyncadd.s32 $0xFFFFC180;
	(pc) =	sbr.rel @p0 .LBB2_2-.Ltmp1, $4  }
0x7b: {  	[spmem:s3] =	stream.indirect.scatter.add.f32 [tilespmem:s1], [sflag:$0x3], $0x10, s24, s24, $0xb8;
	[tilespmem:$0x17DC0] =	vst v63  }
0x7c: {  	_ =	swait.ge [sflag:s20], $0x3E80  }
0x7d: {  	[sflag:s20] =	ssyncset.done $0x0  }
0x7e: {  	[sflag:s20] =	ssyncadd.s32 $0xFFFFC180  }
0x7f: {  	[bflag:$0x0] =	sbarrier.arrive $0xFFFF  }
0x80: {  	s8 =	rddreg [dreg:$0xd]  }
0x81: {  	[hbm:s8], [sflag:s13] =	dma.local [spmem:s19], $0x500  }
0x82: {  	_ =	swait.ge [sflag:s20], $0x500  }
0x83: {  	s2 =	sadd.s32 $0x1, s2;
	s22 =	rddreg [dreg:$0xe]  }
0x84: {  	p0 =	sne.s32 s2, s22  }
.Ltmp2:
0x85: {  	_ = 	snop;
	(pc) =	sbr.rel @p0 .LBB2_1-.Ltmp2, $3  }
0x86: {  	_ =	sdelay $0x1  }
0x87: {  	[sflag:s20] =	ssyncset.done $0x0  }
0x88: {  	[sflag:s20] =	ssyncadd.s32 $0xFFFFFB00  }
0x89: {  	_ =	sfence.sel $0x180000  }
0x8a: {  	[bflag:$0x0] =	sbarrier.arrive $0xFFFF  }
0x8b: {  	_ =	strace $0x90000047  }
0x8c: {  	s0 =	stileid.u32;
	[bflag:$0x2] =	sbarrier.arrive $0xFFFF  }
0x8d: {  	p0 =	sne.s32 s0, $0x0;
	s0 =	rddreg [dreg:$0x8]  }
0x8e: {  	s0 =	sadd.s32 @!p0 $0x100000, s0  }
0x8f: {  	[sflag:s0] =	ssyncadd.tile.s32 @!p0 $0x1;
	_ =	shalt  }
.Lfunc_end2:
_tile_overlayer_lowered:
.L_overlay_start_2:
0x90: {  	(tag) =	ssettag $0x2  }
0x91: {  	s0 =	rddreg [dreg:$0x0];
	s2 =	stileid.u32  }
0x92: {  	s1 =	rddreg [dreg:$0x1];
	p0 =	sne.s32 s2, $0x0  }
0x93: {  	s3 =	rddreg [dreg:$0x2];
	[bflag:$0x3] =	sbarrier.arrive $0xFFFF;
	s2 =	simm.s32 @!p0 $0x1C03  }
0x94: {  	[timem:s3], [sflag:s2] =	dma.local @!p0 [hbm:s0], s1  }
0x95: {  	s0 =	simm.s32 @!p0 $0x3  }
0x96: {  	_ =	swait.ge @!p0 [sflag:s0], s1  }
0x97: {  	s1 =	ssub.s32 @!p0 $0x0, s1;
	[sflag:s0] =	ssyncset.done @!p0 $0x0  }
0x98: {  	[sflag:s0] =	ssyncadd.s32 @!p0 s1  }
0x99: {  	[bflag:$0x3] =	sbarrier.arrive $0xFFFF  }
0x9a: {  	_ =	shalt  }

// kernel: kernel.9.cloned.1.call-start
scs
__scs_entry_jumppad:
0x0: {  	(pc) =	sbr.rel $0x88, $3  }
0x1: {  	(tag) =	ssettag $0x0;
	lr =	simm.s32 $0x1  }
0x2: {  	[smem:$0x3F98] =	sst lr;
	_ =	strace $0xD0000000  }
0x3: {  	_ = 	snop  }
0x4: {  	_ = 	snop  }
0x5: {  	_ = 	snop  }
0x6: {  	_ = 	snop  }
0x7: {  	_ = 	snop  }
__scs_overlays_trampoline_lowered:
0x8: {  	[smem:$0x3FA7] =	sst s0  }
0x9: {  	[smem:$0x3FA8] =	sst s1  }
0xa: {  	[smem:$0x3FA9] =	sst s2  }
0xb: {  	[smem:$0x3FAA] =	sst s3  }
0xc: {  	[smem:$0x3FAB] =	sst s4  }
0xd: {  	[smem:$0x3FAC] =	sst s5  }
0xe: {  	[smem:$0x3FAD] =	sst s6  }
0xf: {  	[smem:$0x3FAE] =	sst s7  }
0x10: {  	[smem:$0x3FAF] =	sst s8  }
0x11: {  	[smem:$0x3FB0] =	sst s9;
	s0 =	simm.s32 @!p0 $0x0  }
0x12: {  	s1 =	sld [smem:$0x3F96];
	s0 =	simm.s32 @p0 $0x1  }
0x13: {  	[smem:$0x3FB1] =	sst s0;
	s0 =	simm.s32 @!p1 $0x0  }
0x14: {  	s2 =	sld [smem:$0x3F95];
	s0 =	simm.s32 @p1 $0x1  }
0x15: {  	[smem:$0x3FB2] =	sst s0;
	s0 =	simm.s32 @!p2 $0x0  }
0x16: {  	s3 =	sld [smem:$0x3FDB];
	s0 =	simm.s32 @p2 $0x1  }
0x17: {  	s4 =	simm.s32 $0x1BF5;
	[smem:$0x3FB4] =	sst s0  }
0x18: {  	s0 =	sld [smem:$0x3F97];
	_ =	swait.ge [sflag:s4], $0x0  }
0x19: {  	s7 =	sld [smem:$0x3F98]  }
0x1a: {  	s8 =	sadd.s32 $0xFFFFE003, lr  }
0x1b: {  	s9 =	sadd.s32 $0xFFFFFEF7, lr;
	s5 =	simm.s32 $0xFFFFFFFF;
	p2 =	slt.u32 s8, $0xFFFFF086  }
0x1c: {  	p1 =	slt.u32 s9, $0xF7A;
	s5 =	simm.s32 @!p2 $0x0  }
0x1d: {  	s5 =	simm.s32 @p1 $0x1;
	p0 =	seq.s32 s7, s2  }
0x1e: {  	s7 =	smul.u32 @!p0 $0xF7A, s2;
	p2 =	seq.s32 @!p0 s5, $0x0  }
0x1f: {  	s9 =	smul.u32 $0xF7A, s1;
	s8 =	simm.s32 @!p0 $0x1BF5;
	p2 =	por !p2, p0  }
0x20: {  	[sflag:s8] =	ssyncset.s32 @!p0 $0xFFFFF086;
	s6 =	sadd.s32 @!p0 s3, s7;
	s7 =	simm.s32 @!p0 $0x108  }
0x21: {  	s3 =	sadd.s32 s3, s9;
	s6 =	sadd.s32 @!p0 $0x88, s6;
	s7 =	simm.s32 @p2 $0x1082  }
0x22: {  	[simem:s7], [sflag:s8] =	dma.local @!p0 [hbm:s6], $0xF7A  }
0x23: {  	s9 =	sor.u32 $0xD0000000, s2;
	s6 =	simm.s32 $0x108;
	_ =	swait.ge @!p0 [sflag:s8], $0x0  }
0x24: {  	s3 =	sadd.s32 $0x88, s3;
	s6 =	simm.s32 @!p1 $0x1082;
	[sflag:s4] =	ssyncset.s32 $0xFFFFF086  }
0x25: {  	[simem:s6], [sflag:s4] =	dma.local [hbm:s3], $0xF7A  }
0x26: {  	[smem:$0x3F98] =	sst s1;
	(tag) =	ssettag s2;
	_ =	strace s9  }
0x27: {  	s1 =	sld [smem:$0x3FA8]  }
0x28: {  	s2 =	sld [smem:$0x3FA9]  }
0x29: {  	s4 =	sld [smem:$0x3FAB]  }
0x2a: {  	p0 =	seq.s32 s5, $0x0;
	s5 =	sld [smem:$0x3FAC]  }
0x2b: {  	s6 =	sld [smem:$0x3FAD]  }
0x2c: {  	s7 =	sld [smem:$0x3FAE]  }
0x2d: {  	s3 =	simm.s32 $0x108;
	s8 =	sld [smem:$0x3FAF]  }
0x2e: {  	s3 =	simm.s32 @!p0 $0x1082;
	s9 =	sld [smem:$0x3FB0]  }
0x2f: {  	lr =	sadd.s32 s0, s3;
	s0 =	sld [smem:$0x3FA7]  }
0x30: {  	s3 =	sld [smem:$0x3FAA]  }
0x31: {  	[smem:$0x3FB3] =	sst s10  }
0x32: {  	s10 =	sld [smem:$0x3FB1];
	_ =	sdelay $0x3  }
0x33: {  	p0 =	seq.s32 s10, $0x1;
	s10 =	sld [smem:$0x3FB3];
	_ =	sdelay $0x3  }
0x34: {  	[smem:$0x3FB3] =	sst s10  }
0x35: {  	s10 =	sld [smem:$0x3FB2];
	_ =	sdelay $0x3  }
0x36: {  	p1 =	seq.s32 s10, $0x1;
	s10 =	sld [smem:$0x3FB3];
	_ =	sdelay $0x3  }
0x37: {  	[smem:$0x3FB3] =	sst s10  }
0x38: {  	s10 =	sld [smem:$0x3FB4]  }
0x39: {  	_ = 	snop;
	(pc) =	sbr.ind lr, $3  }
0x3a: {  	_ = 	snop  }
0x3b: {  	_ = 	snop  }
0x3c: {  	p2 =	seq.s32 s10, $0x1;
	s10 =	sld [smem:$0x3FB3]  }
0x3d: {  	_ =	shalt  }
0x3e: {  	_ =	shalt  }
0x3f: {  	_ =	shalt  }
0x40: {  	_ =	shalt  }
0x41: {  	_ =	shalt  }
0x42: {  	_ =	shalt  }
0x43: {  	_ =	shalt  }
0x44: {  	_ =	shalt  }
0x45: {  	_ =	shalt  }
0x46: {  	_ =	shalt  }
0x47: {  	_ =	shalt  }
0x48: {  	_ =	shalt  }
0x49: {  	_ =	shalt  }
0x4a: {  	_ =	shalt  }
0x4b: {  	_ =	shalt  }
0x4c: {  	_ =	shalt  }
0x4d: {  	_ =	shalt  }
0x4e: {  	_ =	shalt  }
0x4f: {  	_ =	shalt  }
0x50: {  	_ =	shalt  }
0x51: {  	_ =	shalt  }
0x52: {  	_ =	shalt  }
0x53: {  	_ =	shalt  }
0x54: {  	_ =	shalt  }
0x55: {  	_ =	shalt  }
0x56: {  	_ =	shalt  }
0x57: {  	_ =	shalt  }
0x58: {  	_ =	shalt  }
0x59: {  	_ =	shalt  }
0x5a: {  	_ =	shalt  }
0x5b: {  	_ =	shalt  }
0x5c: {  	_ =	shalt  }
0x5d: {  	_ =	shalt  }
0x5e: {  	_ =	shalt  }
0x5f: {  	_ =	shalt  }
0x60: {  	_ =	shalt  }
0x61: {  	_ =	shalt  }
0x62: {  	_ =	shalt  }
0x63: {  	_ =	shalt  }
0x64: {  	_ =	shalt  }
0x65: {  	_ =	shalt  }
0x66: {  	_ =	shalt  }
0x67: {  	_ =	shalt  }
0x68: {  	_ =	shalt  }
0x69: {  	_ =	shalt  }
0x6a: {  	_ =	shalt  }
0x6b: {  	_ =	shalt  }
0x6c: {  	_ =	shalt  }
0x6d: {  	_ =	shalt  }
0x6e: {  	_ =	shalt  }
0x6f: {  	_ =	shalt  }
0x70: {  	_ =	shalt  }
0x71: {  	_ =	shalt  }
0x72: {  	_ =	shalt  }
0x73: {  	_ =	shalt  }
0x74: {  	_ =	shalt  }
0x75: {  	_ =	shalt  }
0x76: {  	_ =	shalt  }
0x77: {  	_ =	shalt  }
0x78: {  	_ =	shalt  }
0x79: {  	_ =	shalt  }
0x7a: {  	_ =	shalt  }
0x7b: {  	_ =	shalt  }
0x7c: {  	_ =	shalt  }
0x7d: {  	_ =	shalt  }
0x7e: {  	_ =	shalt  }
0x7f: {  	_ =	shalt  }
0x80: {  	_ =	shalt  }
0x81: {  	_ =	shalt  }
0x82: {  	_ =	shalt  }
0x83: {  	_ =	shalt  }
0x84: {  	_ =	shalt  }
0x85: {  	_ =	shalt  }
0x86: {  	_ =	shalt  }
0x87: {  	_ =	shalt  }
.Lfunc_end0:
.L_simem_size_0:
called_computation.1_lowered:
.L_overlay_start_0:
0x88: {  	s2 =	sld [smem:$0x3FD9]  }
0x89: {  	s3 =	sld [smem:$0x3FFE];
	_ =	sdelay $0x1  }
0x8a: {  	s1 =	srdreg.scid  }
0x8b: {  	s0 =	sand.u32 $0x1, s1  }
0x8c: {  	s14 =	sshll.u32 s0, $0xA;
	s2 =	sadd.s32 s3, s2  }
0x8d: {  	s2 =	sadd.s32 s2, s14  }
0x8e: {  	[smem:$0x3FBF] =	sst s2  }
0x8f: {  	_ = 	snop  }
0x90: {  	s2 =	sld [smem:$0x3FD0];
	_ =	sdelay $0x2  }
0x91: {  	s15 =	simm.s32 $0xA;
	s4 =	simm.s32 $0x10  }
0x92: {  	[smem:s4], [sflag:s15] =	dma.local [hbm:s2], $0x1  }
0x93: {  	_ =	swait.eq [sflag:s15], $0x1  }
0x94: {  	[sflag:s15] =	ssyncset.done $0x0  }
0x95: {  	[sflag:s15] =	ssyncadd.s32 $0xFFFFFFFF  }
0x96: {  	s16 =	sld [smem:$0x11];
	(tm) =	ssettm $0x1  }
0x97: {  	s17 =	sld [smem:$0x3FFB];
	_ =	sdelay $0x3  }
0x98: {  	_ =	strace s17  }
0x99: {  	s3 =	sld [smem:$0x3FFC];
	_ =	sdelay $0x3  }
0x9a: {  	_ =	strace s3  }
0x9b: {  	s3 =	sld [smem:$0x3FFD];
	_ =	sdelay $0x3  }
0x9c: {  	_ =	strace s3  }
0x9d: {  	_ =	strace $0x8FFFFFFF  }
0x9e: {  	s18 =	sld [smem:$0x3FDB];
	_ =	sdelay $0x1  }
0x9f: {  	s19 =	simm.s32 $_scs_section_size  }
0xa0: {  	s5 =	simm.s32 $_size__tile_overlayer_lowered;
	s6 =	simm.s32 $_tile_overlayer_lowered  }
0xa1: {  	s22 =	simm.s32 $0x1BFF;
	s21 =	sshll.u32 s6, $0x1;
	s3 =	sadd.s32 s19, s18  }
0xa2: {  	s7 =	simm.s32 $0x0;
	s20 =	sshll.u32 s5, $0x1;
	s5 =	sadd.s32 s21, s3  }
0xa3: {  	[timem:s7], [sflag:s22] =	dma.local [hbm:s5], s20  }
0xa4: {  	_ =	swait.ge [sflag:s22], s20  }
0xa5: {  	s4 =	ssub.s32 $0x0, s20;
	[sflag:s22] =	ssyncset.done $0x0  }
0xa6: {  	[sflag:s22] =	ssyncadd.s32 s4;
	_ =	sdelay $0x1  }
0xa7: {  	s23 =	simm.s32 $0x1B8B  }
0xa8: {  	_ =	swait.ge [sflag:s23], $0x1  }
0xa9: {  	[sflag:s23] =	ssyncset.done $0x0  }
0xaa: {  	s25 =	simm.s32 $0x1B8E;
	s24 =	sld [smem:$0x3FFE];
	[sflag:s23] =	ssyncadd.s32 $0xFFFFFFFF  }
0xab: {  	s26 =	simm.s32 $execute0_lowered;
	[smem:$0x3FD2] =	sst s25  }
0xac: {  	s5 =	sshll.u32 s26, $0x1;
	_ =	strace $0x80000049;
	[dreg:$0x1] =	wrdreg $0xFFFFFFFF  }
0xad: {  	s28 =	simm.s32 $_size_execute0_lowered;
	s3 =	sadd.s32 s3, s5;
	[dreg:$0x0] =	wrdreg $0x0  }
0xae: {  	s5 =	sshll.u32 s28, $0x1;
	[dreg:$0x2] =	wrdreg s3  }
0xaf: {  	[dreg:$0x3] =	wrdreg s5  }
0xb0: {  	[dreg:$0x4] =	wrdreg $0xC0  }
0xb1: {  	_ =	task [dreg:s7], $0x5FFFF  }
0xb2: {  	[dreg:$0x1] =	wrdreg $0xFFFFFFFF  }
0xb3: {  	[dreg:$0x0] =	wrdreg $0x60  }
0xb4: {  	[dreg:$0x2] =	wrdreg s24  }
0xb5: {  	[dreg:$0x3] =	wrdreg s16  }
0xb6: {  	[dreg:$0x4] =	wrdreg $0x9  }
0xb7: {  	_ =	task.clear_ibuf [dreg:s7], $0x5FFFF;
	_ =	strace $0x90000049  }
0xb8: {  	s29 =	simm.s32 $0x9;
	_ =	strace $0x8000004B  }
0xb9: {  	_ =	swait.ge [sflag:s29], $0x1  }
0xba: {  	[sflag:s29] =	ssyncadd.s32 $0xFFFFFFFF  }
0xbb: {  	_ =	strace $0x9000004B  }
0xbc: {  	_ =	sfence  }
0xbd: {  	s30 =	sld [smem:$0x0];
	_ =	sdelay $0x2  }
0xbe: {  	s31 =	sshll.u32 s1, $0xD;
	s1 =	sshrl.u32 s1, $0x2  }
0xbf: {  	s3 =	sand.u32 $0x4000, s31;
	s1 =	sadd.s32 s1, s30  }
0xc0: {  	s0 =	sor.u32 s3, s0;
	s1 =	sshll.u32 s1, $0x11  }
0xc1: {  	s0 =	sor.u32 s1, s0  }
0xc2: {  	s0 =	sadd.s32 $0x8F2B, s0  }
0xc3: {  	[sflag:s0] =	ssyncadd.remote.s32 $0x1  }
0xc4: {  	_ =	sfence.sel $0xFFFF  }
0xc5: {  	[dreg:$0x0] =	wrdreg $0xFFFFFFFF;
	(pc) =	sbr.abs _section_cstart, $3  }
0xc6: {  	[dreg:$0x1] =	wrdreg $0xFFFFFFFF  }
0xc7: {  	_ =	task.clear_ibuf [dreg:s7], $0x2FFFF;
	_ =	strace $0x9FFFFFFF  }
0xc8: {  	(tm) =	ssettm $0x7FFFFFFF  }
0xc9: {  	_ =	shalt  }
tec
execute0_lowered:
.L_overlay_start_1:
0x0: {  	(tag) =	ssettag $0x1  }
0x1: {  	s6 =	rddreg [dreg:$0x0]  }
0x2: {  	s1 =	rddreg [dreg:$0x1]  }
0x3: {  	s0 =	rddreg [dreg:$0x2];
	s2 =	simm.s32 $0x0;
	s3 =	srdreg.scid  }
0x4: {  	s10 =	simm.s32 $0x3E8;
	s11 =	simm.s32 $0x4268;
	s12 =	simm.s32 $0x1  }
0x5: {  	s13 =	simm.s32 $0x2;
	s14 =	simm.s32 $0x80E8;
	s15 =	simm.s32 $0x0  }
0x6: {  	[smem:$0x7FF] =	sst s2;
	s7 =	sand.u32 $0x1, s3;
	s4 =	sadd.s32 $0x15600, s6  }
0x7: {  	s5 =	sadd.s32 $0x1400, s6;
	s3 =	stileid.u32;
	s8 =	ssub.s32 $0x2, s7  }
0x8: {  	s6 =	sadd.s32 $0x63800, s6;
	s7 =	sshll.u32 s7, $0x4;
	s9 =	sshrl.u32 s8, $0x1  }
0x9: {  	v1 =	vlaneseq.u32;
	_ =	strace $0x8000004A;
	s7 =	sor.u32 s3, s7;
	s8 =	ssub.s32 s8, s9  }
0xa: {  	v0 =	vand.u32 $0x7, v1;
	v1 =	vor.u32 $0x8, v1;
	s7 =	smul.u32 $0x1388, s7;
	s9 =	simm.s32 $0x3;
	s8 =	smax.u32 s8, $0x1  }
.LBB2_1:
0xb: {  	s16 =	simm.s32 $0x0  }
.LBB2_2:
0xc: {  	s17 =	smul.u32 $0x3E8, s16;
	_ =	sdelay $0x1  }
0xd: {  	s17 =	sadd.s32 s7, s17  }
0xe: {  	s18 =	sshrl.u32 s17, $0x3  }
0xf: {  	s19 =	simm.s32 $0x0;
	s18 =	sadd.s32 s5, s18  }
0x10: {  	[tilespmem:s19], [sflag:$0x3] =	stream.linear.gather [hbm4b:s18+s19], $0x3E8, $0x38;
	[tilespmem:$0xA028] =	vst v63  }
0x11: {  	_ =	swait.ge [sflag:s9], $0x3E8  }
0x12: {  	[sflag:s9] =	ssyncset.done $0x0  }
0x13: {  	s31 =	sshll.u32 s17, $0x1;
	[sflag:s9] =	ssyncadd.s32 $0xFFFFFC18  }
0x14: {  	[tilespmem:s10], [sflag:$0x1] =	stream.indirect.gather [hbm4b:s1+s10], $0x10, s19, s10, $0xb8;
	[tilespmem:$0xA028] =	vst v63  }
0x15: {  	s18 =	sadd.s32 s4, s31  }
0x16: {  	[tilespmem:s11], [sflag:$0x2] =	stream.linear.gather [hbm4b:s18+s19], $0x3E80, $0x38;
	[tilespmem:$0xA028] =	vst v63  }
0x17: {  	_ =	swait.ge [sflag:s12], $0x3E80  }
0x18: {  	[sflag:s12] =	ssyncset.done $0x0  }
0x19: {  	[sflag:s12] =	ssyncadd.s32 $0xFFFFC180  }
0x1a: {  	_ =	swait.ge [sflag:s13], $0x3E80  }
0x1b: {  	[sflag:s13] =	ssyncset.done $0x0  }
0x1c: {  	s18 =	simm.s32 $0x3F8;
	[sflag:s13] =	ssyncadd.s32 $0xFFFFC180  }
0x1d: {  	v2 =	vld [tilespmem:s18+$0x0]  }
0x1e: {  	s19 =	simm.s32 $0x4278;
	v3 =	vld [tilespmem:s18+$0xFFFFFFF0]  }
0x1f: {  	v4 =	vld [tilespmem:s19+$0xFFFFFFF0]  }
0x20: {  	s21 =	simm.s32 $0x0;
	s20 =	simm.s32 $0x1;
	v5 =	vld [tilespmem:s19+$0x0]  }
.LBB2_3:
0x21: {  	p0 =	sne.s32 s20, $0x1F3;
	v6 =	vor.u32 s21, v0  }
0x22: {  	v7 =	vor.u32 s21, v1;
	_ =	sdelay $0x1  }
0x23: {  	v3 =	vmul.f32 v3, v4  }
0x24: {  	v2 =	vmul.f32 v2, v5  }
0x25: {  	[tilespmem:v6+s14+$0x0] =	vst.idx.msk $0xff, v3  }
.Ltmp0:
0x26: {  	s18 =	sadd.s32 $0x20, s18;
	[tilespmem:v7+s14+$0x0] =	vst.idx.msk $0xff, v2;
	(pc) =	sbr.rel @p0 .LBB2_3-.Ltmp0, $4  }
0x27: {  	v2 =	vld [tilespmem:s18+$0x0]  }
0x28: {  	s19 =	sadd.s32 $0x20, s19;
	v3 =	vld [tilespmem:s18+$0xFFFFFFF0]  }
0x29: {  	v4 =	vld [tilespmem:s19+$0xFFFFFFF0]  }
0x2a: {  	s21 =	sshll.u32 s20, $0x4;
	s20 =	sadd.s32 $0x1, s20;
	v5 =	vld [tilespmem:s19+$0x0]  }
0x2b: {  	v6 =	vor.u32 s21, v0  }
0x2c: {  	v7 =	vor.u32 s21, v1;
	_ =	sdelay $0x1  }
0x2d: {  	v3 =	vmul.f32 v3, v4  }
0x2e: {  	s16 =	sadd.s32 $0x1, s16;
	v2 =	vmul.f32 v2, v5  }
0x2f: {  	p0 =	sne.s32 s16, $0x5;
	[tilespmem:v6+s14+$0x0] =	vst.idx.msk $0xff, v3  }
.Ltmp1:
0x30: {  	s17 =	sadd.s32 s6, s17;
	[tilespmem:v7+s14+$0x0] =	vst.idx.msk $0xff, v2;
	(pc) =	sbr.rel @p0 .LBB2_2-.Ltmp1, $4  }
0x31: {  	[hbm4b:s17+s2] =	stream.linear.scatter [tilespmem:s14], [sflag:$0x3], $0x1F40, $0x38;
	[tilespmem:$0xA028] =	vst v63  }
0x32: {  	_ =	swait.ge [sflag:s9], $0x1F40  }
0x33: {  	[sflag:s9] =	ssyncset.done $0x0  }
0x34: {  	[sflag:s9] =	ssyncadd.s32 $0xFFFFE0C0  }
0x35: {  	s15 =	sadd.s32 $0x1, s15  }
0x36: {  	p0 =	sne.s32 s15, s8  }
.Ltmp2:
0x37: {  	_ = 	snop;
	(pc) =	sbr.rel @p0 .LBB2_1-.Ltmp2, $1  }
0x38: {  	_ =	sdelay $0x3  }
0x39: {  	_ =	sfence.sel $0x180000  }
0x3a: {  	[bflag:$0x0] =	sbarrier.arrive $0xFFFF  }
0x3b: {  	p0 =	sne.s32 s3, $0x0;
	_ =	strace $0x9000004A  }
0x3c: {  	s0 =	sadd.s32 @!p0 $0x100000, s0;
	[bflag:$0x2] =	sbarrier.arrive $0xFFFF  }
0x3d: {  	[sflag:s0] =	ssyncadd.tile.s32 @!p0 $0x1;
	_ =	shalt  }
.Lfunc_end2:
_tile_overlayer_lowered:
.L_overlay_start_2:
0x3e: {  	(tag) =	ssettag $0x2  }
0x3f: {  	s0 =	rddreg [dreg:$0x0];
	s2 =	stileid.u32  }
0x40: {  	s1 =	rddreg [dreg:$0x1];
	p0 =	sne.s32 s2, $0x0  }
0x41: {  	s3 =	rddreg [dreg:$0x2];
	[bflag:$0x3] =	sbarrier.arrive $0xFFFF;
	s2 =	simm.s32 @!p0 $0x1C03  }
0x42: {  	[timem:s3], [sflag:s2] =	dma.local @!p0 [hbm:s0], s1  }
0x43: {  	s0 =	simm.s32 @!p0 $0x3  }
0x44: {  	_ =	swait.ge @!p0 [sflag:s0], s1  }
0x45: {  	s1 =	ssub.s32 @!p0 $0x0, s1;
	[sflag:s0] =	ssyncset.done @!p0 $0x0  }
0x46: {  	[sflag:s0] =	ssyncadd.s32 @!p0 s1  }
0x47: {  	[bflag:$0x3] =	sbarrier.arrive $0xFFFF  }
0x48: {  	_ =	shalt  }

</sc_bundles>
